<compile_context>
chip_gen: v7x
topology: tpu7x:2x2x1
jax: 0.10.2.dev20260603
libtpu: 0.0.44.dev20260713+nightly
codegen_flags: <defaults>
</compile_context>

<pallas_src>
import jax
import jax.numpy as jnp
from jax import lax
from jax.experimental import pallas as pl
from jax.experimental.pallas import tpu as pltpu
from jax.experimental.pallas import tpu_sc as plsc

B, L, H = 1024, 200, 128
NW = 32
BPW = B // NW
RPW = BPW * L
LANES = 16
VPR = H // LANES
CHA, CHB = 104, 96
OFFB = CHA


def _compute(buf, pos_v, off, ch):

    def row_loop(r, c):
        for k in range(VPR):
            sl = pl.ds(k * LANES, LANES)
            buf[r, sl] = jnp.maximum(buf[r, sl] + pos_v[off + r, sl], 0.0)
        return c

    lax.fori_loop(0, ch, row_loop, 0)


def _body(seq_hbm, word_hbm, pos_hbm, out_hbm,
          idx_v, pos_v,
          bufA0, bufA1, bufB0, bufB1,
          gA0, gA1, gB0, gB1, oA0, oA1, oB0, oB1):
    wid = lax.axis_index("s") * 2 + lax.axis_index("c")
    base = wid * RPW

    pltpu.sync_copy(seq_hbm.at[pl.ds(base, RPW)], idx_v)

    def gather(loff, off, ch, buf, sem):
        pltpu.async_copy(
            word_hbm.at[idx_v.at[pl.ds(loff + off, ch)]], buf, sem
        )

    def wait_gather(off, ch, buf, sem):
        pltpu.make_async_copy(
            word_hbm.at[idx_v.at[pl.ds(off, ch)]], buf, sem
        ).wait()

    def out_copy(buf, ch, row0, sem):
        pltpu.async_copy(buf, out_hbm.at[pl.ds(row0, ch)], sem)

    def wait_out(buf, ch, sem):
        pltpu.make_async_copy(
            buf, out_hbm.at[pl.ds(base, ch)], sem
        ).wait()

    gather(0, 0, CHA, bufA0, gA0)
    gather(0, OFFB, CHB, bufB0, gB0)
    pltpu.sync_copy(pos_hbm, pos_v)

    def pair_loop(t, carry):
        lu = (2 * t) * L
        lv = lu + L
        u0 = base + lu
        v0 = base + lv

        wait_gather(0, CHA, bufA0, gA0)

        @pl.when(t > 0)
        def _():
            wait_out(bufA1, CHA, oA1)

        gather(lv, 0, CHA, bufA1, gA1)
        _compute(bufA0, pos_v, 0, CHA)
        out_copy(bufA0, CHA, u0, oA0)

        wait_gather(0, CHB, bufB0, gB0)

        @pl.when(t > 0)
        def _():
            wait_out(bufB1, CHB, oB1)

        gather(lv, OFFB, CHB, bufB1, gB1)
        _compute(bufB0, pos_v, OFFB, CHB)
        out_copy(bufB0, CHB, u0 + OFFB, oB0)

        wait_gather(0, CHA, bufA1, gA1)
        wait_out(bufA0, CHA, oA0)

        @pl.when(t < BPW // 2 - 1)
        def _():
            gather(lv + L, 0, CHA, bufA0, gA0)

        _compute(bufA1, pos_v, 0, CHA)
        out_copy(bufA1, CHA, v0, oA1)

        wait_gather(0, CHB, bufB1, gB1)
        wait_out(bufB0, CHB, oB0)

        @pl.when(t < BPW // 2 - 1)
        def _():
            gather(lv + L, OFFB, CHB, bufB0, gB0)

        _compute(bufB1, pos_v, OFFB, CHB)
        out_copy(bufB1, CHB, v0 + OFFB, oB1)

        return carry

    lax.fori_loop(0, BPW // 2, pair_loop, 0)

    wait_out(bufA1, CHA, oA1)
    wait_out(bufB1, CHB, oB1)


def kernel(input_seq, word_table, pos_table):
    seq = input_seq.astype(jnp.int32).reshape(B * L)
    mesh = plsc.VectorSubcoreMesh(core_axis_name="c", subcore_axis_name="s")
    f = pl.kernel(
        _body,
        mesh=mesh,
        out_type=jax.ShapeDtypeStruct((B * L, H), jnp.float32),
        scratch_types=[
            pltpu.VMEM((RPW,), jnp.int32),
            pltpu.VMEM((L, H), jnp.float32),
            pltpu.VMEM((CHA, H), jnp.float32),
            pltpu.VMEM((CHA, H), jnp.float32),
            pltpu.VMEM((CHB, H), jnp.float32),
            pltpu.VMEM((CHB, H), jnp.float32),
        ] + [pltpu.SemaphoreType.DMA] * 8,
    )
    return f(seq, word_table, pos_table).reshape(B, L, H)

# --- scband reference (transcript-rebuilt; emitter-appended) ---
"""Pipeline reference for scband-positional-embedding-26104811225161 (READ-ONLY COPY).

The authoritative reference and input builder live on the scoring server;
editing this copy changes nothing except your own understanding.
"""

import jax, jax.numpy as jnp
import numpy as np

VOCAB = 100000
HIDDEN = 128
MAX_SEQ = 200
B, L = 1024, 200

def setup_inputs(seed: int = 0) -> dict:
    key = jax.random.key(seed)
    k1, k2, k3 = jax.random.split(key, 3)
    input_seq = jax.random.randint(k1, (B, L), 0, VOCAB, dtype=jnp.int64) if jax.config.jax_enable_x64 else jax.random.randint(k1, (B, L), 0, VOCAB, dtype=jnp.int32)
    word_table = jax.random.normal(k2, (VOCAB, HIDDEN), dtype=jnp.float32) * 0.02
    pos_table = jax.random.normal(k3, (MAX_SEQ, HIDDEN), dtype=jnp.float32) * 0.02
    return {"input_seq": input_seq, "word_table": word_table, "pos_table": pos_table}

def reference(input_seq, word_table, pos_table):
    # position indices 0..L-1, broadcast over batch
    L_ = input_seq.shape[-1]
    position = jnp.arange(L_, dtype=jnp.int32)[None, :]  # [1, L]
    w_embedding = jnp.take(word_table, input_seq, axis=0)          # [B, L, H] gather
    p_embedding = jnp.take(pos_table, position, axis=0)            # [1, L, H]
    embedding = w_embedding + p_embedding
    # dropout is identity in eval mode
    return jax.nn.relu(embedding)

if __name__ == "__main__":
    import jax
    _d = setup_inputs()
    print(jax.jit(kernel)(*tuple(_d.values())))

</pallas_src>

<mosaic_0001>
#map = affine_map<(d0, d1) -> (0)>
#map1 = affine_map<(d0, d1) -> (0, 0)>
module attributes {stable_mosaic.version = 14 : i64} {
  func.func @_body(%arg0: i32, %arg1: i32, %arg2: memref<204800xi32, #tpu.memory_space<hbm>>, %arg3: memref<100000x128xf32, #tpu.memory_space<hbm>>, %arg4: memref<200x128xf32, #tpu.memory_space<hbm>>, %arg5: memref<204800x128xf32, #tpu.memory_space<hbm>>, %arg6: memref<6400xi32, #tpu.memory_space<vmem>>, %arg7: memref<200x128xf32, #tpu.memory_space<vmem>>, %arg8: memref<104x128xf32, #tpu.memory_space<vmem>>, %arg9: memref<104x128xf32, #tpu.memory_space<vmem>>, %arg10: memref<96x128xf32, #tpu.memory_space<vmem>>, %arg11: memref<96x128xf32, #tpu.memory_space<vmem>>, %arg12: memref<!tpu.dma_semaphore, #tpu.memory_space<semaphore_mem>>, %arg13: memref<!tpu.dma_semaphore, #tpu.memory_space<semaphore_mem>>, %arg14: memref<!tpu.dma_semaphore, #tpu.memory_space<semaphore_mem>>, %arg15: memref<!tpu.dma_semaphore, #tpu.memory_space<semaphore_mem>>, %arg16: memref<!tpu.dma_semaphore, #tpu.memory_space<semaphore_mem>>, %arg17: memref<!tpu.dma_semaphore, #tpu.memory_space<semaphore_mem>>, %arg18: memref<!tpu.dma_semaphore, #tpu.memory_space<semaphore_mem>>, %arg19: memref<!tpu.dma_semaphore, #tpu.memory_space<semaphore_mem>>) attributes {dimension_semantics = [#tpu.dimension_semantics<core_parallel>, #tpu.dimension_semantics<subcore_parallel>], iteration_bounds = array<i64: 2, 16>, scalar_prefetch = 0 : i64, scratch_operands = 14 : i64, tpu.core_type = #tpu.core_type<sc_vector_subcore>, window_params = [{transform_indices = #map}, {transform_indices = #map1}, {transform_indices = #map1}, {transform_indices = #map1}]} {
    %mul3A = arith.constant 2 : i32
    %mul3A_0 = arith.muli %arg1, %mul3A : i32
    %add3A = arith.addi %mul3A_0, %arg0 : i32
    %mul3A_1 = arith.constant 6400 : i32
    %mul3A_2 = arith.muli %add3A, %mul3A_1 : i32
    "tpu.region"() ({
      %run_scoped3A = tpu.sem_alloc : memref<!tpu.dma_semaphore, #tpu.memory_space<semaphore_mem>>
      %dma_start3A_24 = tpu.memref_slice %arg2[%mul3A_2] : memref<204800xi32, #tpu.memory_space<hbm>> -> memref<6400xi32, #tpu.memory_space<hbm>>
      %dma_start3A_25 = tpu.memref_slice %arg2[%mul3A_2] : memref<204800xi32, #tpu.memory_space<hbm>> -> memref<6400xi32, #tpu.memory_space<hbm>>
      tpu.enqueue_dma source(%dma_start3A_25 : memref<6400xi32, #tpu.memory_space<hbm>>) target(%arg6 : memref<6400xi32, #tpu.memory_space<vmem>>) target_semaphore(%run_scoped3A : memref<!tpu.dma_semaphore, #tpu.memory_space<semaphore_mem>>)
      %dma_wait3A_26 = tpu.memref_slice %arg2[%mul3A_2] : memref<204800xi32, #tpu.memory_space<hbm>> -> memref<6400xi32, #tpu.memory_space<hbm>>
      %dma_wait3A_27 = tpu.memref_slice %arg2[%mul3A_2] : memref<204800xi32, #tpu.memory_space<hbm>> -> memref<6400xi32, #tpu.memory_space<hbm>>
      tpu.wait_dma2 semaphore(%run_scoped3A : memref<!tpu.dma_semaphore, #tpu.memory_space<semaphore_mem>>) src(%dma_wait3A_27 : memref<6400xi32, #tpu.memory_space<hbm>>) dst(%arg6 : memref<6400xi32, #tpu.memory_space<vmem>>)
      tpu.yield
    }) : () -> ()
    %dma_start3A = arith.constant 0 : i32
    %dma_start3A_3 = tpu.memref_slice %arg6[%dma_start3A] : memref<6400xi32, #tpu.memory_space<vmem>> -> memref<104xi32, #tpu.memory_space<vmem>>
    %dma_start3A_4 = arith.constant 0 : i32
    %dma_start3A_5 = arith.constant 0 : i32
    %dma_start3A_6 = tpu.memref_slice %arg3[%dma_start3A_4, %dma_start3A_5] : memref<100000x128xf32, #tpu.memory_space<hbm>> -> memref<100000x128xf32, #tpu.memory_space<hbm>>
    tpu.enqueue_indirect_dma source(%dma_start3A_6 : memref<100000x128xf32, #tpu.memory_space<hbm>>) target(%arg8 : memref<104x128xf32, #tpu.memory_space<vmem>>) offsets(%dma_start3A_3 : memref<104xi32, #tpu.memory_space<vmem>>) semaphore(%arg12 : memref<!tpu.dma_semaphore, #tpu.memory_space<semaphore_mem>>)
    %dma_start3A_7 = arith.constant 104 : i32
    %dma_start3A_8 = tpu.memref_slice %arg6[%dma_start3A_7] : memref<6400xi32, #tpu.memory_space<vmem>> -> memref<96xi32, #tpu.memory_space<vmem>>
    %dma_start3A_9 = arith.constant 0 : i32
    %dma_start3A_10 = arith.constant 0 : i32
    %dma_start3A_11 = tpu.memref_slice %arg3[%dma_start3A_9, %dma_start3A_10] : memref<100000x128xf32, #tpu.memory_space<hbm>> -> memref<100000x128xf32, #tpu.memory_space<hbm>>
    tpu.enqueue_indirect_dma source(%dma_start3A_11 : memref<100000x128xf32, #tpu.memory_space<hbm>>) target(%arg10 : memref<96x128xf32, #tpu.memory_space<vmem>>) offsets(%dma_start3A_8 : memref<96xi32, #tpu.memory_space<vmem>>) semaphore(%arg14 : memref<!tpu.dma_semaphore, #tpu.memory_space<semaphore_mem>>)
    "tpu.region"() ({
      %run_scoped3A = tpu.sem_alloc : memref<!tpu.dma_semaphore, #tpu.memory_space<semaphore_mem>>
      tpu.enqueue_dma source(%arg4 : memref<200x128xf32, #tpu.memory_space<hbm>>) target(%arg7 : memref<200x128xf32, #tpu.memory_space<vmem>>) target_semaphore(%run_scoped3A : memref<!tpu.dma_semaphore, #tpu.memory_space<semaphore_mem>>)
      tpu.wait_dma2 semaphore(%run_scoped3A : memref<!tpu.dma_semaphore, #tpu.memory_space<semaphore_mem>>) src(%arg4 : memref<200x128xf32, #tpu.memory_space<hbm>>) dst(%arg7 : memref<200x128xf32, #tpu.memory_space<vmem>>)
      tpu.yield
    }) : () -> ()
    %scan3A = arith.constant 0 : i32
    %scan3A_12 = arith.constant 0 : i32
    %scan3A_13 = arith.constant 16 : i32
    %scan3A_14 = arith.addi %scan3A_12, %scan3A_13 : i32
    %scan3A_15 = arith.constant 1 : i32
    scf.for %scan3A_24 = %scan3A_12 to %scan3A_14 step %scan3A_15  : i32 {
      %mul3A_25 = arith.constant 2 : i32
      %mul3A_26 = arith.muli %mul3A_25, %scan3A_24 : i32
      %mul3A_27 = arith.constant 200 : i32
      %mul3A_28 = arith.muli %mul3A_26, %mul3A_27 : i32
      %add3A_29 = arith.constant 200 : i32
      %add3A_30 = arith.addi %mul3A_28, %add3A_29 : i32
      %add3A_31 = arith.addi %mul3A_2, %mul3A_28 : i32
      %add3A_32 = arith.addi %mul3A_2, %add3A_30 : i32
      %dma_wait3A_33 = arith.constant 0 : i32
      %dma_wait3A_34 = tpu.memref_slice %arg6[%dma_wait3A_33] : memref<6400xi32, #tpu.memory_space<vmem>> -> memref<104xi32, #tpu.memory_space<vmem>>
      %dma_wait3A_35 = arith.constant 0 : i32
      %dma_wait3A_36 = arith.constant 0 : i32
      %dma_wait3A_37 = tpu.memref_slice %arg3[%dma_wait3A_35, %dma_wait3A_36] : memref<100000x128xf32, #tpu.memory_space<hbm>> -> memref<100000x128xf32, #tpu.memory_space<hbm>>
      tpu.wait_indirect_dma semaphore(%arg12 : memref<!tpu.dma_semaphore, #tpu.memory_space<semaphore_mem>>) src(%dma_wait3A_37 : memref<100000x128xf32, #tpu.memory_space<hbm>>) dst(%arg8 : memref<104x128xf32, #tpu.memory_space<vmem>>)
      %gt3A = arith.constant 0 : i32
      %gt3A_38 = arith.cmpi sgt, %scan3A_24, %gt3A : i32
      %convert_element_type3A = arith.extui %gt3A_38 : i1 to i32
      %cond3A = arith.constant 0 : i32
      %cond3A_39 = arith.cmpi ne, %convert_element_type3A, %cond3A : i32
      scf.if %cond3A_39 {
        %dma_wait3A_133 = arith.constant 0 : i32
        %dma_wait3A_134 = tpu.memref_slice %arg5[%mul3A_2, %dma_wait3A_133] : memref<204800x128xf32, #tpu.memory_space<hbm>> -> memref<104x128xf32, #tpu.memory_space<hbm>>
        %dma_wait3A_135 = arith.constant 0 : i32
        %dma_wait3A_136 = tpu.memref_slice %arg5[%mul3A_2, %dma_wait3A_135] : memref<204800x128xf32, #tpu.memory_space<hbm>> -> memref<104x128xf32, #tpu.memory_space<hbm>>
        tpu.wait_dma2 semaphore(%arg17 : memref<!tpu.dma_semaphore, #tpu.memory_space<semaphore_mem>>) src(%arg9 : memref<104x128xf32, #tpu.memory_space<vmem>>) dst(%dma_wait3A_136 : memref<104x128xf32, #tpu.memory_space<hbm>>)
      } else {
      }
      %add3A_40 = arith.constant 0 : i32
      %add3A_41 = arith.addi %add3A_30, %add3A_40 : i32
      %dma_start3A_42 = tpu.memref_slice %arg6[%add3A_41] : memref<6400xi32, #tpu.memory_space<vmem>> -> memref<104xi32, #tpu.memory_space<vmem>>
      %dma_start3A_43 = arith.constant 0 : i32
      %dma_start3A_44 = arith.constant 0 : i32
      %dma_start3A_45 = tpu.memref_slice %arg3[%dma_start3A_43, %dma_start3A_44] : memref<100000x128xf32, #tpu.memory_space<hbm>> -> memref<100000x128xf32, #tpu.memory_space<hbm>>
      tpu.enqueue_indirect_dma source(%dma_start3A_45 : memref<100000x128xf32, #tpu.memory_space<hbm>>) target(%arg9 : memref<104x128xf32, #tpu.memory_space<vmem>>) offsets(%dma_start3A_42 : memref<104xi32, #tpu.memory_space<vmem>>) semaphore(%arg13 : memref<!tpu.dma_semaphore, #tpu.memory_space<semaphore_mem>>)
      %scan3A_46 = arith.constant 0 : i32
      %scan3A_47 = arith.constant 0 : i32
      %scan3A_48 = arith.constant 104 : i32
      %scan3A_49 = arith.addi %scan3A_47, %scan3A_48 : i32
      %scan3A_50 = arith.constant 1 : i32
      scf.for %scan3A_133 = %scan3A_47 to %scan3A_49 step %scan3A_50  : i32 {
        %get3A = arith.index_cast %scan3A_133 : i32 to index
        %get3A_134 = arith.constant 0 : index
        %get3A_135 = tpu.vector_load %arg8[%get3A, %get3A_134] {strides = array<i32>} : memref<104x128xf32, #tpu.memory_space<vmem>>, vector<1x16xf32>,
        %get3A_136 = vector.shape_cast %get3A_135 : vector<1x16xf32> to vector<16xf32>
        %add3A_137 = arith.constant 0 : i32
        %add3A_138 = arith.addi %add3A_137, %scan3A_133 : i32
        %get3A_139 = arith.index_cast %add3A_138 : i32 to index
        %get3A_140 = arith.constant 0 : index
        %get3A_141 = tpu.vector_load %arg7[%get3A_139, %get3A_140] {strides = array<i32>} : memref<200x128xf32, #tpu.memory_space<vmem>>, vector<1x16xf32>,
        %get3A_142 = vector.shape_cast %get3A_141 : vector<1x16xf32> to vector<16xf32>
        %add3A_143 = arith.addf %get3A_136, %get3A_142 : vector<16xf32>
        %max3A = arith.constant 0.000000e+00 : f32
        %max3A_144 = vector.broadcast %max3A : f32 to vector<16xf32>
        %max3A_145 = arith.maximumf %add3A_143, %max3A_144 : vector<16xf32>
        %swap3A = arith.index_cast %scan3A_133 : i32 to index
        %swap3A_146 = arith.constant 0 : index
        %swap3A_147 = tpu.vector_load %arg8[%swap3A, %swap3A_146] {strides = array<i32>} : memref<104x128xf32, #tpu.memory_space<vmem>>, vector<1x16xf32>,
        %swap3A_148 = vector.shape_cast %swap3A_147 : vector<1x16xf32> to vector<16xf32>
        %swap3A_149 = vector.shape_cast %max3A_145 : vector<16xf32> to vector<1x16xf32>
        tpu.vector_store %arg8[%swap3A, %swap3A_146], %swap3A_149 {strides = array<i32>} : memref<104x128xf32, #tpu.memory_space<vmem>>, vector<1x16xf32>,
        %get3A_150 = arith.index_cast %scan3A_133 : i32 to index
        %get3A_151 = arith.constant 16 : index
        %get3A_152 = tpu.vector_load %arg8[%get3A_150, %get3A_151] {strides = array<i32>} : memref<104x128xf32, #tpu.memory_space<vmem>>, vector<1x16xf32>,
        %get3A_153 = vector.shape_cast %get3A_152 : vector<1x16xf32> to vector<16xf32>
        %add3A_154 = arith.constant 0 : i32
        %add3A_155 = arith.addi %add3A_154, %scan3A_133 : i32
        %get3A_156 = arith.index_cast %add3A_155 : i32 to index
        %get3A_157 = arith.constant 16 : index
        %get3A_158 = tpu.vector_load %arg7[%get3A_156, %get3A_157] {strides = array<i32>} : memref<200x128xf32, #tpu.memory_space<vmem>>, vector<1x16xf32>,
        %get3A_159 = vector.shape_cast %get3A_158 : vector<1x16xf32> to vector<16xf32>
        %add3A_160 = arith.addf %get3A_153, %get3A_159 : vector<16xf32>
        %max3A_161 = arith.constant 0.000000e+00 : f32
        %max3A_162 = vector.broadcast %max3A_161 : f32 to vector<16xf32>
        %max3A_163 = arith.maximumf %add3A_160, %max3A_162 : vector<16xf32>
        %swap3A_164 = arith.index_cast %scan3A_133 : i32 to index
        %swap3A_165 = arith.constant 16 : index
        %swap3A_166 = tpu.vector_load %arg8[%swap3A_164, %swap3A_165] {strides = array<i32>} : memref<104x128xf32, #tpu.memory_space<vmem>>, vector<1x16xf32>,
        %swap3A_167 = vector.shape_cast %swap3A_166 : vector<1x16xf32> to vector<16xf32>
        %swap3A_168 = vector.shape_cast %max3A_163 : vector<16xf32> to vector<1x16xf32>
        tpu.vector_store %arg8[%swap3A_164, %swap3A_165], %swap3A_168 {strides = array<i32>} : memref<104x128xf32, #tpu.memory_space<vmem>>, vector<1x16xf32>,
        %get3A_169 = arith.index_cast %scan3A_133 : i32 to index
        %get3A_170 = arith.constant 32 : index
        %get3A_171 = tpu.vector_load %arg8[%get3A_169, %get3A_170] {strides = array<i32>} : memref<104x128xf32, #tpu.memory_space<vmem>>, vector<1x16xf32>,
        %get3A_172 = vector.shape_cast %get3A_171 : vector<1x16xf32> to vector<16xf32>
        %add3A_173 = arith.constant 0 : i32
        %add3A_174 = arith.addi %add3A_173, %scan3A_133 : i32
        %get3A_175 = arith.index_cast %add3A_174 : i32 to index
        %get3A_176 = arith.constant 32 : index
        %get3A_177 = tpu.vector_load %arg7[%get3A_175, %get3A_176] {strides = array<i32>} : memref<200x128xf32, #tpu.memory_space<vmem>>, vector<1x16xf32>,
        %get3A_178 = vector.shape_cast %get3A_177 : vector<1x16xf32> to vector<16xf32>
        %add3A_179 = arith.addf %get3A_172, %get3A_178 : vector<16xf32>
        %max3A_180 = arith.constant 0.000000e+00 : f32
        %max3A_181 = vector.broadcast %max3A_180 : f32 to vector<16xf32>
        %max3A_182 = arith.maximumf %add3A_179, %max3A_181 : vector<16xf32>
        %swap3A_183 = arith.index_cast %scan3A_133 : i32 to index
        %swap3A_184 = arith.constant 32 : index
        %swap3A_185 = tpu.vector_load %arg8[%swap3A_183, %swap3A_184] {strides = array<i32>} : memref<104x128xf32, #tpu.memory_space<vmem>>, vector<1x16xf32>,
        %swap3A_186 = vector.shape_cast %swap3A_185 : vector<1x16xf32> to vector<16xf32>
        %swap3A_187 = vector.shape_cast %max3A_182 : vector<16xf32> to vector<1x16xf32>
        tpu.vector_store %arg8[%swap3A_183, %swap3A_184], %swap3A_187 {strides = array<i32>} : memref<104x128xf32, #tpu.memory_space<vmem>>, vector<1x16xf32>,
        %get3A_188 = arith.index_cast %scan3A_133 : i32 to index
        %get3A_189 = arith.constant 48 : index
        %get3A_190 = tpu.vector_load %arg8[%get3A_188, %get3A_189] {strides = array<i32>} : memref<104x128xf32, #tpu.memory_space<vmem>>, vector<1x16xf32>,
        %get3A_191 = vector.shape_cast %get3A_190 : vector<1x16xf32> to vector<16xf32>
        %add3A_192 = arith.constant 0 : i32
        %add3A_193 = arith.addi %add3A_192, %scan3A_133 : i32
        %get3A_194 = arith.index_cast %add3A_193 : i32 to index
        %get3A_195 = arith.constant 48 : index
        %get3A_196 = tpu.vector_load %arg7[%get3A_194, %get3A_195] {strides = array<i32>} : memref<200x128xf32, #tpu.memory_space<vmem>>, vector<1x16xf32>,
        %get3A_197 = vector.shape_cast %get3A_196 : vector<1x16xf32> to vector<16xf32>
        %add3A_198 = arith.addf %get3A_191, %get3A_197 : vector<16xf32>
        %max3A_199 = arith.constant 0.000000e+00 : f32
        %max3A_200 = vector.broadcast %max3A_199 : f32 to vector<16xf32>
        %max3A_201 = arith.maximumf %add3A_198, %max3A_200 : vector<16xf32>
        %swap3A_202 = arith.index_cast %scan3A_133 : i32 to index
        %swap3A_203 = arith.constant 48 : index
        %swap3A_204 = tpu.vector_load %arg8[%swap3A_202, %swap3A_203] {strides = array<i32>} : memref<104x128xf32, #tpu.memory_space<vmem>>, vector<1x16xf32>,
        %swap3A_205 = vector.shape_cast %swap3A_204 : vector<1x16xf32> to vector<16xf32>
        %swap3A_206 = vector.shape_cast %max3A_201 : vector<16xf32> to vector<1x16xf32>
        tpu.vector_store %arg8[%swap3A_202, %swap3A_203], %swap3A_206 {strides = array<i32>} : memref<104x128xf32, #tpu.memory_space<vmem>>, vector<1x16xf32>,
        %get3A_207 = arith.index_cast %scan3A_133 : i32 to index
        %get3A_208 = arith.constant 64 : index
        %get3A_209 = tpu.vector_load %arg8[%get3A_207, %get3A_208] {strides = array<i32>} : memref<104x128xf32, #tpu.memory_space<vmem>>, vector<1x16xf32>,
        %get3A_210 = vector.shape_cast %get3A_209 : vector<1x16xf32> to vector<16xf32>
        %add3A_211 = arith.constant 0 : i32
        %add3A_212 = arith.addi %add3A_211, %scan3A_133 : i32
        %get3A_213 = arith.index_cast %add3A_212 : i32 to index
        %get3A_214 = arith.constant 64 : index
        %get3A_215 = tpu.vector_load %arg7[%get3A_213, %get3A_214] {strides = array<i32>} : memref<200x128xf32, #tpu.memory_space<vmem>>, vector<1x16xf32>,
        %get3A_216 = vector.shape_cast %get3A_215 : vector<1x16xf32> to vector<16xf32>
        %add3A_217 = arith.addf %get3A_210, %get3A_216 : vector<16xf32>
        %max3A_218 = arith.constant 0.000000e+00 : f32
        %max3A_219 = vector.broadcast %max3A_218 : f32 to vector<16xf32>
        %max3A_220 = arith.maximumf %add3A_217, %max3A_219 : vector<16xf32>
        %swap3A_221 = arith.index_cast %scan3A_133 : i32 to index
        %swap3A_222 = arith.constant 64 : index
        %swap3A_223 = tpu.vector_load %arg8[%swap3A_221, %swap3A_222] {strides = array<i32>} : memref<104x128xf32, #tpu.memory_space<vmem>>, vector<1x16xf32>,
        %swap3A_224 = vector.shape_cast %swap3A_223 : vector<1x16xf32> to vector<16xf32>
        %swap3A_225 = vector.shape_cast %max3A_220 : vector<16xf32> to vector<1x16xf32>
        tpu.vector_store %arg8[%swap3A_221, %swap3A_222], %swap3A_225 {strides = array<i32>} : memref<104x128xf32, #tpu.memory_space<vmem>>, vector<1x16xf32>,
        %get3A_226 = arith.index_cast %scan3A_133 : i32 to index
        %get3A_227 = arith.constant 80 : index
        %get3A_228 = tpu.vector_load %arg8[%get3A_226, %get3A_227] {strides = array<i32>} : memref<104x128xf32, #tpu.memory_space<vmem>>, vector<1x16xf32>,
        %get3A_229 = vector.shape_cast %get3A_228 : vector<1x16xf32> to vector<16xf32>
        %add3A_230 = arith.constant 0 : i32
        %add3A_231 = arith.addi %add3A_230, %scan3A_133 : i32
        %get3A_232 = arith.index_cast %add3A_231 : i32 to index
        %get3A_233 = arith.constant 80 : index
        %get3A_234 = tpu.vector_load %arg7[%get3A_232, %get3A_233] {strides = array<i32>} : memref<200x128xf32, #tpu.memory_space<vmem>>, vector<1x16xf32>,
        %get3A_235 = vector.shape_cast %get3A_234 : vector<1x16xf32> to vector<16xf32>
        %add3A_236 = arith.addf %get3A_229, %get3A_235 : vector<16xf32>
        %max3A_237 = arith.constant 0.000000e+00 : f32
        %max3A_238 = vector.broadcast %max3A_237 : f32 to vector<16xf32>
        %max3A_239 = arith.maximumf %add3A_236, %max3A_238 : vector<16xf32>
        %swap3A_240 = arith.index_cast %scan3A_133 : i32 to index
        %swap3A_241 = arith.constant 80 : index
        %swap3A_242 = tpu.vector_load %arg8[%swap3A_240, %swap3A_241] {strides = array<i32>} : memref<104x128xf32, #tpu.memory_space<vmem>>, vector<1x16xf32>,
        %swap3A_243 = vector.shape_cast %swap3A_242 : vector<1x16xf32> to vector<16xf32>
        %swap3A_244 = vector.shape_cast %max3A_239 : vector<16xf32> to vector<1x16xf32>
        tpu.vector_store %arg8[%swap3A_240, %swap3A_241], %swap3A_244 {strides = array<i32>} : memref<104x128xf32, #tpu.memory_space<vmem>>, vector<1x16xf32>,
        %get3A_245 = arith.index_cast %scan3A_133 : i32 to index
        %get3A_246 = arith.constant 96 : index
        %get3A_247 = tpu.vector_load %arg8[%get3A_245, %get3A_246] {strides = array<i32>} : memref<104x128xf32, #tpu.memory_space<vmem>>, vector<1x16xf32>,
        %get3A_248 = vector.shape_cast %get3A_247 : vector<1x16xf32> to vector<16xf32>
        %add3A_249 = arith.constant 0 : i32
        %add3A_250 = arith.addi %add3A_249, %scan3A_133 : i32
        %get3A_251 = arith.index_cast %add3A_250 : i32 to index
        %get3A_252 = arith.constant 96 : index
        %get3A_253 = tpu.vector_load %arg7[%get3A_251, %get3A_252] {strides = array<i32>} : memref<200x128xf32, #tpu.memory_space<vmem>>, vector<1x16xf32>,
        %get3A_254 = vector.shape_cast %get3A_253 : vector<1x16xf32> to vector<16xf32>
        %add3A_255 = arith.addf %get3A_248, %get3A_254 : vector<16xf32>
        %max3A_256 = arith.constant 0.000000e+00 : f32
        %max3A_257 = vector.broadcast %max3A_256 : f32 to vector<16xf32>
        %max3A_258 = arith.maximumf %add3A_255, %max3A_257 : vector<16xf32>
        %swap3A_259 = arith.index_cast %scan3A_133 : i32 to index
        %swap3A_260 = arith.constant 96 : index
        %swap3A_261 = tpu.vector_load %arg8[%swap3A_259, %swap3A_260] {strides = array<i32>} : memref<104x128xf32, #tpu.memory_space<vmem>>, vector<1x16xf32>,
        %swap3A_262 = vector.shape_cast %swap3A_261 : vector<1x16xf32> to vector<16xf32>
        %swap3A_263 = vector.shape_cast %max3A_258 : vector<16xf32> to vector<1x16xf32>
        tpu.vector_store %arg8[%swap3A_259, %swap3A_260], %swap3A_263 {strides = array<i32>} : memref<104x128xf32, #tpu.memory_space<vmem>>, vector<1x16xf32>,
        %get3A_264 = arith.index_cast %scan3A_133 : i32 to index
        %get3A_265 = arith.constant 112 : index
        %get3A_266 = tpu.vector_load %arg8[%get3A_264, %get3A_265] {strides = array<i32>} : memref<104x128xf32, #tpu.memory_space<vmem>>, vector<1x16xf32>,
        %get3A_267 = vector.shape_cast %get3A_266 : vector<1x16xf32> to vector<16xf32>
        %add3A_268 = arith.constant 0 : i32
        %add3A_269 = arith.addi %add3A_268, %scan3A_133 : i32
        %get3A_270 = arith.index_cast %add3A_269 : i32 to index
        %get3A_271 = arith.constant 112 : index
        %get3A_272 = tpu.vector_load %arg7[%get3A_270, %get3A_271] {strides = array<i32>} : memref<200x128xf32, #tpu.memory_space<vmem>>, vector<1x16xf32>,
        %get3A_273 = vector.shape_cast %get3A_272 : vector<1x16xf32> to vector<16xf32>
        %add3A_274 = arith.addf %get3A_267, %get3A_273 : vector<16xf32>
        %max3A_275 = arith.constant 0.000000e+00 : f32
        %max3A_276 = vector.broadcast %max3A_275 : f32 to vector<16xf32>
        %max3A_277 = arith.maximumf %add3A_274, %max3A_276 : vector<16xf32>
        %swap3A_278 = arith.index_cast %scan3A_133 : i32 to index
        %swap3A_279 = arith.constant 112 : index
        %swap3A_280 = tpu.vector_load %arg8[%swap3A_278, %swap3A_279] {strides = array<i32>} : memref<104x128xf32, #tpu.memory_space<vmem>>, vector<1x16xf32>,
        %swap3A_281 = vector.shape_cast %swap3A_280 : vector<1x16xf32> to vector<16xf32>
        %swap3A_282 = vector.shape_cast %max3A_277 : vector<16xf32> to vector<1x16xf32>
        tpu.vector_store %arg8[%swap3A_278, %swap3A_279], %swap3A_282 {strides = array<i32>} : memref<104x128xf32, #tpu.memory_space<vmem>>, vector<1x16xf32>,
      }
      %scan3A_51 = arith.constant 104 : i32
      %dma_start3A_52 = arith.constant 0 : i32
      %dma_start3A_53 = tpu.memref_slice %arg5[%add3A_31, %dma_start3A_52] : memref<204800x128xf32, #tpu.memory_space<hbm>> -> memref<104x128xf32, #tpu.memory_space<hbm>>
      %dma_start3A_54 = arith.constant 0 : i32
      %dma_start3A_55 = tpu.memref_slice %arg5[%add3A_31, %dma_start3A_54] : memref<204800x128xf32, #tpu.memory_space<hbm>> -> memref<104x128xf32, #tpu.memory_space<hbm>>
      tpu.enqueue_dma source(%arg8 : memref<104x128xf32, #tpu.memory_space<vmem>>) target(%dma_start3A_55 : memref<104x128xf32, #tpu.memory_space<hbm>>) target_semaphore(%arg16 : memref<!tpu.dma_semaphore, #tpu.memory_space<semaphore_mem>>)
      %dma_wait3A_56 = arith.constant 0 : i32
      %dma_wait3A_57 = tpu.memref_slice %arg6[%dma_wait3A_56] : memref<6400xi32, #tpu.memory_space<vmem>> -> memref<96xi32, #tpu.memory_space<vmem>>
      %dma_wait3A_58 = arith.constant 0 : i32
      %dma_wait3A_59 = arith.constant 0 : i32
      %dma_wait3A_60 = tpu.memref_slice %arg3[%dma_wait3A_58, %dma_wait3A_59] : memref<100000x128xf32, #tpu.memory_space<hbm>> -> memref<100000x128xf32, #tpu.memory_space<hbm>>
      tpu.wait_indirect_dma semaphore(%arg14 : memref<!tpu.dma_semaphore, #tpu.memory_space<semaphore_mem>>) src(%dma_wait3A_60 : memref<100000x128xf32, #tpu.memory_space<hbm>>) dst(%arg10 : memref<96x128xf32, #tpu.memory_space<vmem>>)
      %gt3A_61 = arith.constant 0 : i32
      %gt3A_62 = arith.cmpi sgt, %scan3A_24, %gt3A_61 : i32
      %convert_element_type3A_63 = arith.extui %gt3A_62 : i1 to i32
      %cond3A_64 = arith.constant 0 : i32
      %cond3A_65 = arith.cmpi ne, %convert_element_type3A_63, %cond3A_64 : i32
      scf.if %cond3A_65 {
        %dma_wait3A_133 = arith.constant 0 : i32
        %dma_wait3A_134 = tpu.memref_slice %arg5[%mul3A_2, %dma_wait3A_133] : memref<204800x128xf32, #tpu.memory_space<hbm>> -> memref<96x128xf32, #tpu.memory_space<hbm>>
        %dma_wait3A_135 = arith.constant 0 : i32
        %dma_wait3A_136 = tpu.memref_slice %arg5[%mul3A_2, %dma_wait3A_135] : memref<204800x128xf32, #tpu.memory_space<hbm>> -> memref<96x128xf32, #tpu.memory_space<hbm>>
        tpu.wait_dma2 semaphore(%arg19 : memref<!tpu.dma_semaphore, #tpu.memory_space<semaphore_mem>>) src(%arg11 : memref<96x128xf32, #tpu.memory_space<vmem>>) dst(%dma_wait3A_136 : memref<96x128xf32, #tpu.memory_space<hbm>>)
      } else {
      }
      %add3A_66 = arith.constant 104 : i32
      %add3A_67 = arith.addi %add3A_30, %add3A_66 : i32
      %dma_start3A_68 = tpu.memref_slice %arg6[%add3A_67] : memref<6400xi32, #tpu.memory_space<vmem>> -> memref<96xi32, #tpu.memory_space<vmem>>
      %dma_start3A_69 = arith.constant 0 : i32
      %dma_start3A_70 = arith.constant 0 : i32
      %dma_start3A_71 = tpu.memref_slice %arg3[%dma_start3A_69, %dma_start3A_70] : memref<100000x128xf32, #tpu.memory_space<hbm>> -> memref<100000x128xf32, #tpu.memory_space<hbm>>
      tpu.enqueue_indirect_dma source(%dma_start3A_71 : memref<100000x128xf32, #tpu.memory_space<hbm>>) target(%arg11 : memref<96x128xf32, #tpu.memory_space<vmem>>) offsets(%dma_start3A_68 : memref<96xi32, #tpu.memory_space<vmem>>) semaphore(%arg15 : memref<!tpu.dma_semaphore, #tpu.memory_space<semaphore_mem>>)
      %scan3A_72 = arith.constant 0 : i32
      %scan3A_73 = arith.constant 0 : i32
      %scan3A_74 = arith.constant 96 : i32
      %scan3A_75 = arith.addi %scan3A_73, %scan3A_74 : i32
      %scan3A_76 = arith.constant 1 : i32
      scf.for %scan3A_133 = %scan3A_73 to %scan3A_75 step %scan3A_76  : i32 {
        %get3A = arith.index_cast %scan3A_133 : i32 to index
        %get3A_134 = arith.constant 0 : index
        %get3A_135 = tpu.vector_load %arg10[%get3A, %get3A_134] {strides = array<i32>} : memref<96x128xf32, #tpu.memory_space<vmem>>, vector<1x16xf32>,
        %get3A_136 = vector.shape_cast %get3A_135 : vector<1x16xf32> to vector<16xf32>
        %add3A_137 = arith.constant 104 : i32
        %add3A_138 = arith.addi %add3A_137, %scan3A_133 : i32
        %get3A_139 = arith.index_cast %add3A_138 : i32 to index
        %get3A_140 = arith.constant 0 : index
        %get3A_141 = tpu.vector_load %arg7[%get3A_139, %get3A_140] {strides = array<i32>} : memref<200x128xf32, #tpu.memory_space<vmem>>, vector<1x16xf32>,
        %get3A_142 = vector.shape_cast %get3A_141 : vector<1x16xf32> to vector<16xf32>
        %add3A_143 = arith.addf %get3A_136, %get3A_142 : vector<16xf32>
        %max3A = arith.constant 0.000000e+00 : f32
        %max3A_144 = vector.broadcast %max3A : f32 to vector<16xf32>
        %max3A_145 = arith.maximumf %add3A_143, %max3A_144 : vector<16xf32>
        %swap3A = arith.index_cast %scan3A_133 : i32 to index
        %swap3A_146 = arith.constant 0 : index
        %swap3A_147 = tpu.vector_load %arg10[%swap3A, %swap3A_146] {strides = array<i32>} : memref<96x128xf32, #tpu.memory_space<vmem>>, vector<1x16xf32>,
        %swap3A_148 = vector.shape_cast %swap3A_147 : vector<1x16xf32> to vector<16xf32>
        %swap3A_149 = vector.shape_cast %max3A_145 : vector<16xf32> to vector<1x16xf32>
        tpu.vector_store %arg10[%swap3A, %swap3A_146], %swap3A_149 {strides = array<i32>} : memref<96x128xf32, #tpu.memory_space<vmem>>, vector<1x16xf32>,
        %get3A_150 = arith.index_cast %scan3A_133 : i32 to index
        %get3A_151 = arith.constant 16 : index
        %get3A_152 = tpu.vector_load %arg10[%get3A_150, %get3A_151] {strides = array<i32>} : memref<96x128xf32, #tpu.memory_space<vmem>>, vector<1x16xf32>,
        %get3A_153 = vector.shape_cast %get3A_152 : vector<1x16xf32> to vector<16xf32>
        %add3A_154 = arith.constant 104 : i32
        %add3A_155 = arith.addi %add3A_154, %scan3A_133 : i32
        %get3A_156 = arith.index_cast %add3A_155 : i32 to index
        %get3A_157 = arith.constant 16 : index
        %get3A_158 = tpu.vector_load %arg7[%get3A_156, %get3A_157] {strides = array<i32>} : memref<200x128xf32, #tpu.memory_space<vmem>>, vector<1x16xf32>,
        %get3A_159 = vector.shape_cast %get3A_158 : vector<1x16xf32> to vector<16xf32>
        %add3A_160 = arith.addf %get3A_153, %get3A_159 : vector<16xf32>
        %max3A_161 = arith.constant 0.000000e+00 : f32
        %max3A_162 = vector.broadcast %max3A_161 : f32 to vector<16xf32>
        %max3A_163 = arith.maximumf %add3A_160, %max3A_162 : vector<16xf32>
        %swap3A_164 = arith.index_cast %scan3A_133 : i32 to index
        %swap3A_165 = arith.constant 16 : index
        %swap3A_166 = tpu.vector_load %arg10[%swap3A_164, %swap3A_165] {strides = array<i32>} : memref<96x128xf32, #tpu.memory_space<vmem>>, vector<1x16xf32>,
        %swap3A_167 = vector.shape_cast %swap3A_166 : vector<1x16xf32> to vector<16xf32>
        %swap3A_168 = vector.shape_cast %max3A_163 : vector<16xf32> to vector<1x16xf32>
        tpu.vector_store %arg10[%swap3A_164, %swap3A_165], %swap3A_168 {strides = array<i32>} : memref<96x128xf32, #tpu.memory_space<vmem>>, vector<1x16xf32>,
        %get3A_169 = arith.index_cast %scan3A_133 : i32 to index
        %get3A_170 = arith.constant 32 : index
        %get3A_171 = tpu.vector_load %arg10[%get3A_169, %get3A_170] {strides = array<i32>} : memref<96x128xf32, #tpu.memory_space<vmem>>, vector<1x16xf32>,
        %get3A_172 = vector.shape_cast %get3A_171 : vector<1x16xf32> to vector<16xf32>
        %add3A_173 = arith.constant 104 : i32
        %add3A_174 = arith.addi %add3A_173, %scan3A_133 : i32
        %get3A_175 = arith.index_cast %add3A_174 : i32 to index
        %get3A_176 = arith.constant 32 : index
        %get3A_177 = tpu.vector_load %arg7[%get3A_175, %get3A_176] {strides = array<i32>} : memref<200x128xf32, #tpu.memory_space<vmem>>, vector<1x16xf32>,
        %get3A_178 = vector.shape_cast %get3A_177 : vector<1x16xf32> to vector<16xf32>
        %add3A_179 = arith.addf %get3A_172, %get3A_178 : vector<16xf32>
        %max3A_180 = arith.constant 0.000000e+00 : f32
        %max3A_181 = vector.broadcast %max3A_180 : f32 to vector<16xf32>
        %max3A_182 = arith.maximumf %add3A_179, %max3A_181 : vector<16xf32>
        %swap3A_183 = arith.index_cast %scan3A_133 : i32 to index
        %swap3A_184 = arith.constant 32 : index
        %swap3A_185 = tpu.vector_load %arg10[%swap3A_183, %swap3A_184] {strides = array<i32>} : memref<96x128xf32, #tpu.memory_space<vmem>>, vector<1x16xf32>,
        %swap3A_186 = vector.shape_cast %swap3A_185 : vector<1x16xf32> to vector<16xf32>
        %swap3A_187 = vector.shape_cast %max3A_182 : vector<16xf32> to vector<1x16xf32>
        tpu.vector_store %arg10[%swap3A_183, %swap3A_184], %swap3A_187 {strides = array<i32>} : memref<96x128xf32, #tpu.memory_space<vmem>>, vector<1x16xf32>,
        %get3A_188 = arith.index_cast %scan3A_133 : i32 to index
        %get3A_189 = arith.constant 48 : index
        %get3A_190 = tpu.vector_load %arg10[%get3A_188, %get3A_189] {strides = array<i32>} : memref<96x128xf32, #tpu.memory_space<vmem>>, vector<1x16xf32>,
        %get3A_191 = vector.shape_cast %get3A_190 : vector<1x16xf32> to vector<16xf32>
        %add3A_192 = arith.constant 104 : i32
        %add3A_193 = arith.addi %add3A_192, %scan3A_133 : i32
        %get3A_194 = arith.index_cast %add3A_193 : i32 to index
        %get3A_195 = arith.constant 48 : index
        %get3A_196 = tpu.vector_load %arg7[%get3A_194, %get3A_195] {strides = array<i32>} : memref<200x128xf32, #tpu.memory_space<vmem>>, vector<1x16xf32>,
        %get3A_197 = vector.shape_cast %get3A_196 : vector<1x16xf32> to vector<16xf32>
        %add3A_198 = arith.addf %get3A_191, %get3A_197 : vector<16xf32>
        %max3A_199 = arith.constant 0.000000e+00 : f32
        %max3A_200 = vector.broadcast %max3A_199 : f32 to vector<16xf32>
        %max3A_201 = arith.maximumf %add3A_198, %max3A_200 : vector<16xf32>
        %swap3A_202 = arith.index_cast %scan3A_133 : i32 to index
        %swap3A_203 = arith.constant 48 : index
        %swap3A_204 = tpu.vector_load %arg10[%swap3A_202, %swap3A_203] {strides = array<i32>} : memref<96x128xf32, #tpu.memory_space<vmem>>, vector<1x16xf32>,
        %swap3A_205 = vector.shape_cast %swap3A_204 : vector<1x16xf32> to vector<16xf32>
        %swap3A_206 = vector.shape_cast %max3A_201 : vector<16xf32> to vector<1x16xf32>
        tpu.vector_store %arg10[%swap3A_202, %swap3A_203], %swap3A_206 {strides = array<i32>} : memref<96x128xf32, #tpu.memory_space<vmem>>, vector<1x16xf32>,
        %get3A_207 = arith.index_cast %scan3A_133 : i32 to index
        %get3A_208 = arith.constant 64 : index
        %get3A_209 = tpu.vector_load %arg10[%get3A_207, %get3A_208] {strides = array<i32>} : memref<96x128xf32, #tpu.memory_space<vmem>>, vector<1x16xf32>,
        %get3A_210 = vector.shape_cast %get3A_209 : vector<1x16xf32> to vector<16xf32>
        %add3A_211 = arith.constant 104 : i32
        %add3A_212 = arith.addi %add3A_211, %scan3A_133 : i32
        %get3A_213 = arith.index_cast %add3A_212 : i32 to index
        %get3A_214 = arith.constant 64 : index
        %get3A_215 = tpu.vector_load %arg7[%get3A_213, %get3A_214] {strides = array<i32>} : memref<200x128xf32, #tpu.memory_space<vmem>>, vector<1x16xf32>,
        %get3A_216 = vector.shape_cast %get3A_215 : vector<1x16xf32> to vector<16xf32>
        %add3A_217 = arith.addf %get3A_210, %get3A_216 : vector<16xf32>
        %max3A_218 = arith.constant 0.000000e+00 : f32
        %max3A_219 = vector.broadcast %max3A_218 : f32 to vector<16xf32>
        %max3A_220 = arith.maximumf %add3A_217, %max3A_219 : vector<16xf32>
        %swap3A_221 = arith.index_cast %scan3A_133 : i32 to index
        %swap3A_222 = arith.constant 64 : index
        %swap3A_223 = tpu.vector_load %arg10[%swap3A_221, %swap3A_222] {strides = array<i32>} : memref<96x128xf32, #tpu.memory_space<vmem>>, vector<1x16xf32>,
        %swap3A_224 = vector.shape_cast %swap3A_223 : vector<1x16xf32> to vector<16xf32>
        %swap3A_225 = vector.shape_cast %max3A_220 : vector<16xf32> to vector<1x16xf32>
        tpu.vector_store %arg10[%swap3A_221, %swap3A_222], %swap3A_225 {strides = array<i32>} : memref<96x128xf32, #tpu.memory_space<vmem>>, vector<1x16xf32>,
        %get3A_226 = arith.index_cast %scan3A_133 : i32 to index
        %get3A_227 = arith.constant 80 : index
        %get3A_228 = tpu.vector_load %arg10[%get3A_226, %get3A_227] {strides = array<i32>} : memref<96x128xf32, #tpu.memory_space<vmem>>, vector<1x16xf32>,
        %get3A_229 = vector.shape_cast %get3A_228 : vector<1x16xf32> to vector<16xf32>
        %add3A_230 = arith.constant 104 : i32
        %add3A_231 = arith.addi %add3A_230, %scan3A_133 : i32
        %get3A_232 = arith.index_cast %add3A_231 : i32 to index
        %get3A_233 = arith.constant 80 : index
        %get3A_234 = tpu.vector_load %arg7[%get3A_232, %get3A_233] {strides = array<i32>} : memref<200x128xf32, #tpu.memory_space<vmem>>, vector<1x16xf32>,
        %get3A_235 = vector.shape_cast %get3A_234 : vector<1x16xf32> to vector<16xf32>
        %add3A_236 = arith.addf %get3A_229, %get3A_235 : vector<16xf32>
        %max3A_237 = arith.constant 0.000000e+00 : f32
        %max3A_238 = vector.broadcast %max3A_237 : f32 to vector<16xf32>
        %max3A_239 = arith.maximumf %add3A_236, %max3A_238 : vector<16xf32>
        %swap3A_240 = arith.index_cast %scan3A_133 : i32 to index
        %swap3A_241 = arith.constant 80 : index
        %swap3A_242 = tpu.vector_load %arg10[%swap3A_240, %swap3A_241] {strides = array<i32>} : memref<96x128xf32, #tpu.memory_space<vmem>>, vector<1x16xf32>,
        %swap3A_243 = vector.shape_cast %swap3A_242 : vector<1x16xf32> to vector<16xf32>
        %swap3A_244 = vector.shape_cast %max3A_239 : vector<16xf32> to vector<1x16xf32>
        tpu.vector_store %arg10[%swap3A_240, %swap3A_241], %swap3A_244 {strides = array<i32>} : memref<96x128xf32, #tpu.memory_space<vmem>>, vector<1x16xf32>,
        %get3A_245 = arith.index_cast %scan3A_133 : i32 to index
        %get3A_246 = arith.constant 96 : index
        %get3A_247 = tpu.vector_load %arg10[%get3A_245, %get3A_246] {strides = array<i32>} : memref<96x128xf32, #tpu.memory_space<vmem>>, vector<1x16xf32>,
        %get3A_248 = vector.shape_cast %get3A_247 : vector<1x16xf32> to vector<16xf32>
        %add3A_249 = arith.constant 104 : i32
        %add3A_250 = arith.addi %add3A_249, %scan3A_133 : i32
        %get3A_251 = arith.index_cast %add3A_250 : i32 to index
        %get3A_252 = arith.constant 96 : index
        %get3A_253 = tpu.vector_load %arg7[%get3A_251, %get3A_252] {strides = array<i32>} : memref<200x128xf32, #tpu.memory_space<vmem>>, vector<1x16xf32>,
        %get3A_254 = vector.shape_cast %get3A_253 : vector<1x16xf32> to vector<16xf32>
        %add3A_255 = arith.addf %get3A_248, %get3A_254 : vector<16xf32>
        %max3A_256 = arith.constant 0.000000e+00 : f32
        %max3A_257 = vector.broadcast %max3A_256 : f32 to vector<16xf32>
        %max3A_258 = arith.maximumf %add3A_255, %max3A_257 : vector<16xf32>
        %swap3A_259 = arith.index_cast %scan3A_133 : i32 to index
        %swap3A_260 = arith.constant 96 : index
        %swap3A_261 = tpu.vector_load %arg10[%swap3A_259, %swap3A_260] {strides = array<i32>} : memref<96x128xf32, #tpu.memory_space<vmem>>, vector<1x16xf32>,
        %swap3A_262 = vector.shape_cast %swap3A_261 : vector<1x16xf32> to vector<16xf32>
        %swap3A_263 = vector.shape_cast %max3A_258 : vector<16xf32> to vector<1x16xf32>
        tpu.vector_store %arg10[%swap3A_259, %swap3A_260], %swap3A_263 {strides = array<i32>} : memref<96x128xf32, #tpu.memory_space<vmem>>, vector<1x16xf32>,
        %get3A_264 = arith.index_cast %scan3A_133 : i32 to index
        %get3A_265 = arith.constant 112 : index
        %get3A_266 = tpu.vector_load %arg10[%get3A_264, %get3A_265] {strides = array<i32>} : memref<96x128xf32, #tpu.memory_space<vmem>>, vector<1x16xf32>,
        %get3A_267 = vector.shape_cast %get3A_266 : vector<1x16xf32> to vector<16xf32>
        %add3A_268 = arith.constant 104 : i32
        %add3A_269 = arith.addi %add3A_268, %scan3A_133 : i32
        %get3A_270 = arith.index_cast %add3A_269 : i32 to index
        %get3A_271 = arith.constant 112 : index
        %get3A_272 = tpu.vector_load %arg7[%get3A_270, %get3A_271] {strides = array<i32>} : memref<200x128xf32, #tpu.memory_space<vmem>>, vector<1x16xf32>,
        %get3A_273 = vector.shape_cast %get3A_272 : vector<1x16xf32> to vector<16xf32>
        %add3A_274 = arith.addf %get3A_267, %get3A_273 : vector<16xf32>
        %max3A_275 = arith.constant 0.000000e+00 : f32
        %max3A_276 = vector.broadcast %max3A_275 : f32 to vector<16xf32>
        %max3A_277 = arith.maximumf %add3A_274, %max3A_276 : vector<16xf32>
        %swap3A_278 = arith.index_cast %scan3A_133 : i32 to index
        %swap3A_279 = arith.constant 112 : index
        %swap3A_280 = tpu.vector_load %arg10[%swap3A_278, %swap3A_279] {strides = array<i32>} : memref<96x128xf32, #tpu.memory_space<vmem>>, vector<1x16xf32>,
        %swap3A_281 = vector.shape_cast %swap3A_280 : vector<1x16xf32> to vector<16xf32>
        %swap3A_282 = vector.shape_cast %max3A_277 : vector<16xf32> to vector<1x16xf32>
        tpu.vector_store %arg10[%swap3A_278, %swap3A_279], %swap3A_282 {strides = array<i32>} : memref<96x128xf32, #tpu.memory_space<vmem>>, vector<1x16xf32>,
      }
      %scan3A_77 = arith.constant 96 : i32
      %add3A_78 = arith.constant 104 : i32
      %add3A_79 = arith.addi %add3A_31, %add3A_78 : i32
      %dma_start3A_80 = arith.constant 0 : i32
      %dma_start3A_81 = tpu.memref_slice %arg5[%add3A_79, %dma_start3A_80] : memref<204800x128xf32, #tpu.memory_space<hbm>> -> memref<96x128xf32, #tpu.memory_space<hbm>>
      %dma_start3A_82 = arith.constant 0 : i32
      %dma_start3A_83 = tpu.memref_slice %arg5[%add3A_79, %dma_start3A_82] : memref<204800x128xf32, #tpu.memory_space<hbm>> -> memref<96x128xf32, #tpu.memory_space<hbm>>
      tpu.enqueue_dma source(%arg10 : memref<96x128xf32, #tpu.memory_space<vmem>>) target(%dma_start3A_83 : memref<96x128xf32, #tpu.memory_space<hbm>>) target_semaphore(%arg18 : memref<!tpu.dma_semaphore, #tpu.memory_space<semaphore_mem>>)
      %dma_wait3A_84 = arith.constant 0 : i32
      %dma_wait3A_85 = tpu.memref_slice %arg6[%dma_wait3A_84] : memref<6400xi32, #tpu.memory_space<vmem>> -> memref<104xi32, #tpu.memory_space<vmem>>
      %dma_wait3A_86 = arith.constant 0 : i32
      %dma_wait3A_87 = arith.constant 0 : i32
      %dma_wait3A_88 = tpu.memref_slice %arg3[%dma_wait3A_86, %dma_wait3A_87] : memref<100000x128xf32, #tpu.memory_space<hbm>> -> memref<100000x128xf32, #tpu.memory_space<hbm>>
      tpu.wait_indirect_dma semaphore(%arg13 : memref<!tpu.dma_semaphore, #tpu.memory_space<semaphore_mem>>) src(%dma_wait3A_88 : memref<100000x128xf32, #tpu.memory_space<hbm>>) dst(%arg9 : memref<104x128xf32, #tpu.memory_space<vmem>>)
      %dma_wait3A_89 = arith.constant 0 : i32
      %dma_wait3A_90 = tpu.memref_slice %arg5[%mul3A_2, %dma_wait3A_89] : memref<204800x128xf32, #tpu.memory_space<hbm>> -> memref<104x128xf32, #tpu.memory_space<hbm>>
      %dma_wait3A_91 = arith.constant 0 : i32
      %dma_wait3A_92 = tpu.memref_slice %arg5[%mul3A_2, %dma_wait3A_91] : memref<204800x128xf32, #tpu.memory_space<hbm>> -> memref<104x128xf32, #tpu.memory_space<hbm>>
      tpu.wait_dma2 semaphore(%arg16 : memref<!tpu.dma_semaphore, #tpu.memory_space<semaphore_mem>>) src(%arg8 : memref<104x128xf32, #tpu.memory_space<vmem>>) dst(%dma_wait3A_92 : memref<104x128xf32, #tpu.memory_space<hbm>>)
      %lt3A = arith.constant 15 : i32
      %lt3A_93 = arith.cmpi slt, %scan3A_24, %lt3A : i32
      %convert_element_type3A_94 = arith.extui %lt3A_93 : i1 to i32
      %cond3A_95 = arith.constant 0 : i32
      %cond3A_96 = arith.cmpi ne, %convert_element_type3A_94, %cond3A_95 : i32
      scf.if %cond3A_96 {
        %add3A_133 = arith.constant 200 : i32
        %add3A_134 = arith.addi %add3A_30, %add3A_133 : i32
        %add3A_135 = arith.constant 0 : i32
        %add3A_136 = arith.addi %add3A_134, %add3A_135 : i32
        %dma_start3A_137 = tpu.memref_slice %arg6[%add3A_136] : memref<6400xi32, #tpu.memory_space<vmem>> -> memref<104xi32, #tpu.memory_space<vmem>>
        %dma_start3A_138 = arith.constant 0 : i32
        %dma_start3A_139 = arith.constant 0 : i32
        %dma_start3A_140 = tpu.memref_slice %arg3[%dma_start3A_138, %dma_start3A_139] : memref<100000x128xf32, #tpu.memory_space<hbm>> -> memref<100000x128xf32, #tpu.memory_space<hbm>>
        tpu.enqueue_indirect_dma source(%dma_start3A_140 : memref<100000x128xf32, #tpu.memory_space<hbm>>) target(%arg8 : memref<104x128xf32, #tpu.memory_space<vmem>>) offsets(%dma_start3A_137 : memref<104xi32, #tpu.memory_space<vmem>>) semaphore(%arg12 : memref<!tpu.dma_semaphore, #tpu.memory_space<semaphore_mem>>)
      } else {
      }
      %scan3A_97 = arith.constant 0 : i32
      %scan3A_98 = arith.constant 0 : i32
      %scan3A_99 = arith.constant 104 : i32
      %scan3A_100 = arith.addi %scan3A_98, %scan3A_99 : i32
      %scan3A_101 = arith.constant 1 : i32
      scf.for %scan3A_133 = %scan3A_98 to %scan3A_100 step %scan3A_101  : i32 {
        %get3A = arith.index_cast %scan3A_133 : i32 to index
        %get3A_134 = arith.constant 0 : index
        %get3A_135 = tpu.vector_load %arg9[%get3A, %get3A_134] {strides = array<i32>} : memref<104x128xf32, #tpu.memory_space<vmem>>, vector<1x16xf32>,
        %get3A_136 = vector.shape_cast %get3A_135 : vector<1x16xf32> to vector<16xf32>
        %add3A_137 = arith.constant 0 : i32
        %add3A_138 = arith.addi %add3A_137, %scan3A_133 : i32
        %get3A_139 = arith.index_cast %add3A_138 : i32 to index
        %get3A_140 = arith.constant 0 : index
        %get3A_141 = tpu.vector_load %arg7[%get3A_139, %get3A_140] {strides = array<i32>} : memref<200x128xf32, #tpu.memory_space<vmem>>, vector<1x16xf32>,
        %get3A_142 = vector.shape_cast %get3A_141 : vector<1x16xf32> to vector<16xf32>
        %add3A_143 = arith.addf %get3A_136, %get3A_142 : vector<16xf32>
        %max3A = arith.constant 0.000000e+00 : f32
        %max3A_144 = vector.broadcast %max3A : f32 to vector<16xf32>
        %max3A_145 = arith.maximumf %add3A_143, %max3A_144 : vector<16xf32>
        %swap3A = arith.index_cast %scan3A_133 : i32 to index
        %swap3A_146 = arith.constant 0 : index
        %swap3A_147 = tpu.vector_load %arg9[%swap3A, %swap3A_146] {strides = array<i32>} : memref<104x128xf32, #tpu.memory_space<vmem>>, vector<1x16xf32>,
        %swap3A_148 = vector.shape_cast %swap3A_147 : vector<1x16xf32> to vector<16xf32>
        %swap3A_149 = vector.shape_cast %max3A_145 : vector<16xf32> to vector<1x16xf32>
        tpu.vector_store %arg9[%swap3A, %swap3A_146], %swap3A_149 {strides = array<i32>} : memref<104x128xf32, #tpu.memory_space<vmem>>, vector<1x16xf32>,
        %get3A_150 = arith.index_cast %scan3A_133 : i32 to index
        %get3A_151 = arith.constant 16 : index
        %get3A_152 = tpu.vector_load %arg9[%get3A_150, %get3A_151] {strides = array<i32>} : memref<104x128xf32, #tpu.memory_space<vmem>>, vector<1x16xf32>,
        %get3A_153 = vector.shape_cast %get3A_152 : vector<1x16xf32> to vector<16xf32>
        %add3A_154 = arith.constant 0 : i32
        %add3A_155 = arith.addi %add3A_154, %scan3A_133 : i32
        %get3A_156 = arith.index_cast %add3A_155 : i32 to index
        %get3A_157 = arith.constant 16 : index
        %get3A_158 = tpu.vector_load %arg7[%get3A_156, %get3A_157] {strides = array<i32>} : memref<200x128xf32, #tpu.memory_space<vmem>>, vector<1x16xf32>,
        %get3A_159 = vector.shape_cast %get3A_158 : vector<1x16xf32> to vector<16xf32>
        %add3A_160 = arith.addf %get3A_153, %get3A_159 : vector<16xf32>
        %max3A_161 = arith.constant 0.000000e+00 : f32
        %max3A_162 = vector.broadcast %max3A_161 : f32 to vector<16xf32>
        %max3A_163 = arith.maximumf %add3A_160, %max3A_162 : vector<16xf32>
        %swap3A_164 = arith.index_cast %scan3A_133 : i32 to index
        %swap3A_165 = arith.constant 16 : index
        %swap3A_166 = tpu.vector_load %arg9[%swap3A_164, %swap3A_165] {strides = array<i32>} : memref<104x128xf32, #tpu.memory_space<vmem>>, vector<1x16xf32>,
        %swap3A_167 = vector.shape_cast %swap3A_166 : vector<1x16xf32> to vector<16xf32>
        %swap3A_168 = vector.shape_cast %max3A_163 : vector<16xf32> to vector<1x16xf32>
        tpu.vector_store %arg9[%swap3A_164, %swap3A_165], %swap3A_168 {strides = array<i32>} : memref<104x128xf32, #tpu.memory_space<vmem>>, vector<1x16xf32>,
        %get3A_169 = arith.index_cast %scan3A_133 : i32 to index
        %get3A_170 = arith.constant 32 : index
        %get3A_171 = tpu.vector_load %arg9[%get3A_169, %get3A_170] {strides = array<i32>} : memref<104x128xf32, #tpu.memory_space<vmem>>, vector<1x16xf32>,
        %get3A_172 = vector.shape_cast %get3A_171 : vector<1x16xf32> to vector<16xf32>
        %add3A_173 = arith.constant 0 : i32
        %add3A_174 = arith.addi %add3A_173, %scan3A_133 : i32
        %get3A_175 = arith.index_cast %add3A_174 : i32 to index
        %get3A_176 = arith.constant 32 : index
        %get3A_177 = tpu.vector_load %arg7[%get3A_175, %get3A_176] {strides = array<i32>} : memref<200x128xf32, #tpu.memory_space<vmem>>, vector<1x16xf32>,
        %get3A_178 = vector.shape_cast %get3A_177 : vector<1x16xf32> to vector<16xf32>
        %add3A_179 = arith.addf %get3A_172, %get3A_178 : vector<16xf32>
        %max3A_180 = arith.constant 0.000000e+00 : f32
        %max3A_181 = vector.broadcast %max3A_180 : f32 to vector<16xf32>
        %max3A_182 = arith.maximumf %add3A_179, %max3A_181 : vector<16xf32>
        %swap3A_183 = arith.index_cast %scan3A_133 : i32 to index
        %swap3A_184 = arith.constant 32 : index
        %swap3A_185 = tpu.vector_load %arg9[%swap3A_183, %swap3A_184] {strides = array<i32>} : memref<104x128xf32, #tpu.memory_space<vmem>>, vector<1x16xf32>,
        %swap3A_186 = vector.shape_cast %swap3A_185 : vector<1x16xf32> to vector<16xf32>
        %swap3A_187 = vector.shape_cast %max3A_182 : vector<16xf32> to vector<1x16xf32>
        tpu.vector_store %arg9[%swap3A_183, %swap3A_184], %swap3A_187 {strides = array<i32>} : memref<104x128xf32, #tpu.memory_space<vmem>>, vector<1x16xf32>,
        %get3A_188 = arith.index_cast %scan3A_133 : i32 to index
        %get3A_189 = arith.constant 48 : index
        %get3A_190 = tpu.vector_load %arg9[%get3A_188, %get3A_189] {strides = array<i32>} : memref<104x128xf32, #tpu.memory_space<vmem>>, vector<1x16xf32>,
        %get3A_191 = vector.shape_cast %get3A_190 : vector<1x16xf32> to vector<16xf32>
        %add3A_192 = arith.constant 0 : i32
        %add3A_193 = arith.addi %add3A_192, %scan3A_133 : i32
        %get3A_194 = arith.index_cast %add3A_193 : i32 to index
        %get3A_195 = arith.constant 48 : index
        %get3A_196 = tpu.vector_load %arg7[%get3A_194, %get3A_195] {strides = array<i32>} : memref<200x128xf32, #tpu.memory_space<vmem>>, vector<1x16xf32>,
        %get3A_197 = vector.shape_cast %get3A_196 : vector<1x16xf32> to vector<16xf32>
        %add3A_198 = arith.addf %get3A_191, %get3A_197 : vector<16xf32>
        %max3A_199 = arith.constant 0.000000e+00 : f32
        %max3A_200 = vector.broadcast %max3A_199 : f32 to vector<16xf32>
        %max3A_201 = arith.maximumf %add3A_198, %max3A_200 : vector<16xf32>
        %swap3A_202 = arith.index_cast %scan3A_133 : i32 to index
        %swap3A_203 = arith.constant 48 : index
        %swap3A_204 = tpu.vector_load %arg9[%swap3A_202, %swap3A_203] {strides = array<i32>} : memref<104x128xf32, #tpu.memory_space<vmem>>, vector<1x16xf32>,
        %swap3A_205 = vector.shape_cast %swap3A_204 : vector<1x16xf32> to vector<16xf32>
        %swap3A_206 = vector.shape_cast %max3A_201 : vector<16xf32> to vector<1x16xf32>
        tpu.vector_store %arg9[%swap3A_202, %swap3A_203], %swap3A_206 {strides = array<i32>} : memref<104x128xf32, #tpu.memory_space<vmem>>, vector<1x16xf32>,
        %get3A_207 = arith.index_cast %scan3A_133 : i32 to index
        %get3A_208 = arith.constant 64 : index
        %get3A_209 = tpu.vector_load %arg9[%get3A_207, %get3A_208] {strides = array<i32>} : memref<104x128xf32, #tpu.memory_space<vmem>>, vector<1x16xf32>,
        %get3A_210 = vector.shape_cast %get3A_209 : vector<1x16xf32> to vector<16xf32>
        %add3A_211 = arith.constant 0 : i32
        %add3A_212 = arith.addi %add3A_211, %scan3A_133 : i32
        %get3A_213 = arith.index_cast %add3A_212 : i32 to index
        %get3A_214 = arith.constant 64 : index
        %get3A_215 = tpu.vector_load %arg7[%get3A_213, %get3A_214] {strides = array<i32>} : memref<200x128xf32, #tpu.memory_space<vmem>>, vector<1x16xf32>,
        %get3A_216 = vector.shape_cast %get3A_215 : vector<1x16xf32> to vector<16xf32>
        %add3A_217 = arith.addf %get3A_210, %get3A_216 : vector<16xf32>
        %max3A_218 = arith.constant 0.000000e+00 : f32
        %max3A_219 = vector.broadcast %max3A_218 : f32 to vector<16xf32>
        %max3A_220 = arith.maximumf %add3A_217, %max3A_219 : vector<16xf32>
        %swap3A_221 = arith.index_cast %scan3A_133 : i32 to index
        %swap3A_222 = arith.constant 64 : index
        %swap3A_223 = tpu.vector_load %arg9[%swap3A_221, %swap3A_222] {strides = array<i32>} : memref<104x128xf32, #tpu.memory_space<vmem>>, vector<1x16xf32>,
        %swap3A_224 = vector.shape_cast %swap3A_223 : vector<1x16xf32> to vector<16xf32>
        %swap3A_225 = vector.shape_cast %max3A_220 : vector<16xf32> to vector<1x16xf32>
        tpu.vector_store %arg9[%swap3A_221, %swap3A_222], %swap3A_225 {strides = array<i32>} : memref<104x128xf32, #tpu.memory_space<vmem>>, vector<1x16xf32>,
        %get3A_226 = arith.index_cast %scan3A_133 : i32 to index
        %get3A_227 = arith.constant 80 : index
        %get3A_228 = tpu.vector_load %arg9[%get3A_226, %get3A_227] {strides = array<i32>} : memref<104x128xf32, #tpu.memory_space<vmem>>, vector<1x16xf32>,
        %get3A_229 = vector.shape_cast %get3A_228 : vector<1x16xf32> to vector<16xf32>
        %add3A_230 = arith.constant 0 : i32
        %add3A_231 = arith.addi %add3A_230, %scan3A_133 : i32
        %get3A_232 = arith.index_cast %add3A_231 : i32 to index
        %get3A_233 = arith.constant 80 : index
        %get3A_234 = tpu.vector_load %arg7[%get3A_232, %get3A_233] {strides = array<i32>} : memref<200x128xf32, #tpu.memory_space<vmem>>, vector<1x16xf32>,
        %get3A_235 = vector.shape_cast %get3A_234 : vector<1x16xf32> to vector<16xf32>
        %add3A_236 = arith.addf %get3A_229, %get3A_235 : vector<16xf32>
        %max3A_237 = arith.constant 0.000000e+00 : f32
        %max3A_238 = vector.broadcast %max3A_237 : f32 to vector<16xf32>
        %max3A_239 = arith.maximumf %add3A_236, %max3A_238 : vector<16xf32>
        %swap3A_240 = arith.index_cast %scan3A_133 : i32 to index
        %swap3A_241 = arith.constant 80 : index
        %swap3A_242 = tpu.vector_load %arg9[%swap3A_240, %swap3A_241] {strides = array<i32>} : memref<104x128xf32, #tpu.memory_space<vmem>>, vector<1x16xf32>,
        %swap3A_243 = vector.shape_cast %swap3A_242 : vector<1x16xf32> to vector<16xf32>
        %swap3A_244 = vector.shape_cast %max3A_239 : vector<16xf32> to vector<1x16xf32>
        tpu.vector_store %arg9[%swap3A_240, %swap3A_241], %swap3A_244 {strides = array<i32>} : memref<104x128xf32, #tpu.memory_space<vmem>>, vector<1x16xf32>,
        %get3A_245 = arith.index_cast %scan3A_133 : i32 to index
        %get3A_246 = arith.constant 96 : index
        %get3A_247 = tpu.vector_load %arg9[%get3A_245, %get3A_246] {strides = array<i32>} : memref<104x128xf32, #tpu.memory_space<vmem>>, vector<1x16xf32>,
        %get3A_248 = vector.shape_cast %get3A_247 : vector<1x16xf32> to vector<16xf32>
        %add3A_249 = arith.constant 0 : i32
        %add3A_250 = arith.addi %add3A_249, %scan3A_133 : i32
        %get3A_251 = arith.index_cast %add3A_250 : i32 to index
        %get3A_252 = arith.constant 96 : index
        %get3A_253 = tpu.vector_load %arg7[%get3A_251, %get3A_252] {strides = array<i32>} : memref<200x128xf32, #tpu.memory_space<vmem>>, vector<1x16xf32>,
        %get3A_254 = vector.shape_cast %get3A_253 : vector<1x16xf32> to vector<16xf32>
        %add3A_255 = arith.addf %get3A_248, %get3A_254 : vector<16xf32>
        %max3A_256 = arith.constant 0.000000e+00 : f32
        %max3A_257 = vector.broadcast %max3A_256 : f32 to vector<16xf32>
        %max3A_258 = arith.maximumf %add3A_255, %max3A_257 : vector<16xf32>
        %swap3A_259 = arith.index_cast %scan3A_133 : i32 to index
        %swap3A_260 = arith.constant 96 : index
        %swap3A_261 = tpu.vector_load %arg9[%swap3A_259, %swap3A_260] {strides = array<i32>} : memref<104x128xf32, #tpu.memory_space<vmem>>, vector<1x16xf32>,
        %swap3A_262 = vector.shape_cast %swap3A_261 : vector<1x16xf32> to vector<16xf32>
        %swap3A_263 = vector.shape_cast %max3A_258 : vector<16xf32> to vector<1x16xf32>
        tpu.vector_store %arg9[%swap3A_259, %swap3A_260], %swap3A_263 {strides = array<i32>} : memref<104x128xf32, #tpu.memory_space<vmem>>, vector<1x16xf32>,
        %get3A_264 = arith.index_cast %scan3A_133 : i32 to index
        %get3A_265 = arith.constant 112 : index
        %get3A_266 = tpu.vector_load %arg9[%get3A_264, %get3A_265] {strides = array<i32>} : memref<104x128xf32, #tpu.memory_space<vmem>>, vector<1x16xf32>,
        %get3A_267 = vector.shape_cast %get3A_266 : vector<1x16xf32> to vector<16xf32>
        %add3A_268 = arith.constant 0 : i32
        %add3A_269 = arith.addi %add3A_268, %scan3A_133 : i32
        %get3A_270 = arith.index_cast %add3A_269 : i32 to index
        %get3A_271 = arith.constant 112 : index
        %get3A_272 = tpu.vector_load %arg7[%get3A_270, %get3A_271] {strides = array<i32>} : memref<200x128xf32, #tpu.memory_space<vmem>>, vector<1x16xf32>,
        %get3A_273 = vector.shape_cast %get3A_272 : vector<1x16xf32> to vector<16xf32>
        %add3A_274 = arith.addf %get3A_267, %get3A_273 : vector<16xf32>
        %max3A_275 = arith.constant 0.000000e+00 : f32
        %max3A_276 = vector.broadcast %max3A_275 : f32 to vector<16xf32>
        %max3A_277 = arith.maximumf %add3A_274, %max3A_276 : vector<16xf32>
        %swap3A_278 = arith.index_cast %scan3A_133 : i32 to index
        %swap3A_279 = arith.constant 112 : index
        %swap3A_280 = tpu.vector_load %arg9[%swap3A_278, %swap3A_279] {strides = array<i32>} : memref<104x128xf32, #tpu.memory_space<vmem>>, vector<1x16xf32>,
        %swap3A_281 = vector.shape_cast %swap3A_280 : vector<1x16xf32> to vector<16xf32>
        %swap3A_282 = vector.shape_cast %max3A_277 : vector<16xf32> to vector<1x16xf32>
        tpu.vector_store %arg9[%swap3A_278, %swap3A_279], %swap3A_282 {strides = array<i32>} : memref<104x128xf32, #tpu.memory_space<vmem>>, vector<1x16xf32>,
      }
      %scan3A_102 = arith.constant 104 : i32
      %dma_start3A_103 = arith.constant 0 : i32
      %dma_start3A_104 = tpu.memref_slice %arg5[%add3A_32, %dma_start3A_103] : memref<204800x128xf32, #tpu.memory_space<hbm>> -> memref<104x128xf32, #tpu.memory_space<hbm>>
      %dma_start3A_105 = arith.constant 0 : i32
      %dma_start3A_106 = tpu.memref_slice %arg5[%add3A_32, %dma_start3A_105] : memref<204800x128xf32, #tpu.memory_space<hbm>> -> memref<104x128xf32, #tpu.memory_space<hbm>>
      tpu.enqueue_dma source(%arg9 : memref<104x128xf32, #tpu.memory_space<vmem>>) target(%dma_start3A_106 : memref<104x128xf32, #tpu.memory_space<hbm>>) target_semaphore(%arg17 : memref<!tpu.dma_semaphore, #tpu.memory_space<semaphore_mem>>)
      %dma_wait3A_107 = arith.constant 0 : i32
      %dma_wait3A_108 = tpu.memref_slice %arg6[%dma_wait3A_107] : memref<6400xi32, #tpu.memory_space<vmem>> -> memref<96xi32, #tpu.memory_space<vmem>>
      %dma_wait3A_109 = arith.constant 0 : i32
      %dma_wait3A_110 = arith.constant 0 : i32
      %dma_wait3A_111 = tpu.memref_slice %arg3[%dma_wait3A_109, %dma_wait3A_110] : memref<100000x128xf32, #tpu.memory_space<hbm>> -> memref<100000x128xf32, #tpu.memory_space<hbm>>
      tpu.wait_indirect_dma semaphore(%arg15 : memref<!tpu.dma_semaphore, #tpu.memory_space<semaphore_mem>>) src(%dma_wait3A_111 : memref<100000x128xf32, #tpu.memory_space<hbm>>) dst(%arg11 : memref<96x128xf32, #tpu.memory_space<vmem>>)
      %dma_wait3A_112 = arith.constant 0 : i32
      %dma_wait3A_113 = tpu.memref_slice %arg5[%mul3A_2, %dma_wait3A_112] : memref<204800x128xf32, #tpu.memory_space<hbm>> -> memref<96x128xf32, #tpu.memory_space<hbm>>
      %dma_wait3A_114 = arith.constant 0 : i32
      %dma_wait3A_115 = tpu.memref_slice %arg5[%mul3A_2, %dma_wait3A_114] : memref<204800x128xf32, #tpu.memory_space<hbm>> -> memref<96x128xf32, #tpu.memory_space<hbm>>
      tpu.wait_dma2 semaphore(%arg18 : memref<!tpu.dma_semaphore, #tpu.memory_space<semaphore_mem>>) src(%arg10 : memref<96x128xf32, #tpu.memory_space<vmem>>) dst(%dma_wait3A_115 : memref<96x128xf32, #tpu.memory_space<hbm>>)
      %lt3A_116 = arith.constant 15 : i32
      %lt3A_117 = arith.cmpi slt, %scan3A_24, %lt3A_116 : i32
      %convert_element_type3A_118 = arith.extui %lt3A_117 : i1 to i32
      %cond3A_119 = arith.constant 0 : i32
      %cond3A_120 = arith.cmpi ne, %convert_element_type3A_118, %cond3A_119 : i32
      scf.if %cond3A_120 {
        %add3A_133 = arith.constant 200 : i32
        %add3A_134 = arith.addi %add3A_30, %add3A_133 : i32
        %add3A_135 = arith.constant 104 : i32
        %add3A_136 = arith.addi %add3A_134, %add3A_135 : i32
        %dma_start3A_137 = tpu.memref_slice %arg6[%add3A_136] : memref<6400xi32, #tpu.memory_space<vmem>> -> memref<96xi32, #tpu.memory_space<vmem>>
        %dma_start3A_138 = arith.constant 0 : i32
        %dma_start3A_139 = arith.constant 0 : i32
        %dma_start3A_140 = tpu.memref_slice %arg3[%dma_start3A_138, %dma_start3A_139] : memref<100000x128xf32, #tpu.memory_space<hbm>> -> memref<100000x128xf32, #tpu.memory_space<hbm>>
        tpu.enqueue_indirect_dma source(%dma_start3A_140 : memref<100000x128xf32, #tpu.memory_space<hbm>>) target(%arg10 : memref<96x128xf32, #tpu.memory_space<vmem>>) offsets(%dma_start3A_137 : memref<96xi32, #tpu.memory_space<vmem>>) semaphore(%arg14 : memref<!tpu.dma_semaphore, #tpu.memory_space<semaphore_mem>>)
      } else {
      }
      %scan3A_121 = arith.constant 0 : i32
      %scan3A_122 = arith.constant 0 : i32
      %scan3A_123 = arith.constant 96 : i32
      %scan3A_124 = arith.addi %scan3A_122, %scan3A_123 : i32
      %scan3A_125 = arith.constant 1 : i32
      scf.for %scan3A_133 = %scan3A_122 to %scan3A_124 step %scan3A_125  : i32 {
        %get3A = arith.index_cast %scan3A_133 : i32 to index
        %get3A_134 = arith.constant 0 : index
        %get3A_135 = tpu.vector_load %arg11[%get3A, %get3A_134] {strides = array<i32>} : memref<96x128xf32, #tpu.memory_space<vmem>>, vector<1x16xf32>,
        %get3A_136 = vector.shape_cast %get3A_135 : vector<1x16xf32> to vector<16xf32>
        %add3A_137 = arith.constant 104 : i32
        %add3A_138 = arith.addi %add3A_137, %scan3A_133 : i32
        %get3A_139 = arith.index_cast %add3A_138 : i32 to index
        %get3A_140 = arith.constant 0 : index
        %get3A_141 = tpu.vector_load %arg7[%get3A_139, %get3A_140] {strides = array<i32>} : memref<200x128xf32, #tpu.memory_space<vmem>>, vector<1x16xf32>,
        %get3A_142 = vector.shape_cast %get3A_141 : vector<1x16xf32> to vector<16xf32>
        %add3A_143 = arith.addf %get3A_136, %get3A_142 : vector<16xf32>
        %max3A = arith.constant 0.000000e+00 : f32
        %max3A_144 = vector.broadcast %max3A : f32 to vector<16xf32>
        %max3A_145 = arith.maximumf %add3A_143, %max3A_144 : vector<16xf32>
        %swap3A = arith.index_cast %scan3A_133 : i32 to index
        %swap3A_146 = arith.constant 0 : index
        %swap3A_147 = tpu.vector_load %arg11[%swap3A, %swap3A_146] {strides = array<i32>} : memref<96x128xf32, #tpu.memory_space<vmem>>, vector<1x16xf32>,
        %swap3A_148 = vector.shape_cast %swap3A_147 : vector<1x16xf32> to vector<16xf32>
        %swap3A_149 = vector.shape_cast %max3A_145 : vector<16xf32> to vector<1x16xf32>
        tpu.vector_store %arg11[%swap3A, %swap3A_146], %swap3A_149 {strides = array<i32>} : memref<96x128xf32, #tpu.memory_space<vmem>>, vector<1x16xf32>,
        %get3A_150 = arith.index_cast %scan3A_133 : i32 to index
        %get3A_151 = arith.constant 16 : index
        %get3A_152 = tpu.vector_load %arg11[%get3A_150, %get3A_151] {strides = array<i32>} : memref<96x128xf32, #tpu.memory_space<vmem>>, vector<1x16xf32>,
        %get3A_153 = vector.shape_cast %get3A_152 : vector<1x16xf32> to vector<16xf32>
        %add3A_154 = arith.constant 104 : i32
        %add3A_155 = arith.addi %add3A_154, %scan3A_133 : i32
        %get3A_156 = arith.index_cast %add3A_155 : i32 to index
        %get3A_157 = arith.constant 16 : index
        %get3A_158 = tpu.vector_load %arg7[%get3A_156, %get3A_157] {strides = array<i32>} : memref<200x128xf32, #tpu.memory_space<vmem>>, vector<1x16xf32>,
        %get3A_159 = vector.shape_cast %get3A_158 : vector<1x16xf32> to vector<16xf32>
        %add3A_160 = arith.addf %get3A_153, %get3A_159 : vector<16xf32>
        %max3A_161 = arith.constant 0.000000e+00 : f32
        %max3A_162 = vector.broadcast %max3A_161 : f32 to vector<16xf32>
        %max3A_163 = arith.maximumf %add3A_160, %max3A_162 : vector<16xf32>
        %swap3A_164 = arith.index_cast %scan3A_133 : i32 to index
        %swap3A_165 = arith.constant 16 : index
        %swap3A_166 = tpu.vector_load %arg11[%swap3A_164, %swap3A_165] {strides = array<i32>} : memref<96x128xf32, #tpu.memory_space<vmem>>, vector<1x16xf32>,
        %swap3A_167 = vector.shape_cast %swap3A_166 : vector<1x16xf32> to vector<16xf32>
        %swap3A_168 = vector.shape_cast %max3A_163 : vector<16xf32> to vector<1x16xf32>
        tpu.vector_store %arg11[%swap3A_164, %swap3A_165], %swap3A_168 {strides = array<i32>} : memref<96x128xf32, #tpu.memory_space<vmem>>, vector<1x16xf32>,
        %get3A_169 = arith.index_cast %scan3A_133 : i32 to index
        %get3A_170 = arith.constant 32 : index
        %get3A_171 = tpu.vector_load %arg11[%get3A_169, %get3A_170] {strides = array<i32>} : memref<96x128xf32, #tpu.memory_space<vmem>>, vector<1x16xf32>,
        %get3A_172 = vector.shape_cast %get3A_171 : vector<1x16xf32> to vector<16xf32>
        %add3A_173 = arith.constant 104 : i32
        %add3A_174 = arith.addi %add3A_173, %scan3A_133 : i32
        %get3A_175 = arith.index_cast %add3A_174 : i32 to index
        %get3A_176 = arith.constant 32 : index
        %get3A_177 = tpu.vector_load %arg7[%get3A_175, %get3A_176] {strides = array<i32>} : memref<200x128xf32, #tpu.memory_space<vmem>>, vector<1x16xf32>,
        %get3A_178 = vector.shape_cast %get3A_177 : vector<1x16xf32> to vector<16xf32>
        %add3A_179 = arith.addf %get3A_172, %get3A_178 : vector<16xf32>
        %max3A_180 = arith.constant 0.000000e+00 : f32
        %max3A_181 = vector.broadcast %max3A_180 : f32 to vector<16xf32>
        %max3A_182 = arith.maximumf %add3A_179, %max3A_181 : vector<16xf32>
        %swap3A_183 = arith.index_cast %scan3A_133 : i32 to index
        %swap3A_184 = arith.constant 32 : index
        %swap3A_185 = tpu.vector_load %arg11[%swap3A_183, %swap3A_184] {strides = array<i32>} : memref<96x128xf32, #tpu.memory_space<vmem>>, vector<1x16xf32>,
        %swap3A_186 = vector.shape_cast %swap3A_185 : vector<1x16xf32> to vector<16xf32>
        %swap3A_187 = vector.shape_cast %max3A_182 : vector<16xf32> to vector<1x16xf32>
        tpu.vector_store %arg11[%swap3A_183, %swap3A_184], %swap3A_187 {strides = array<i32>} : memref<96x128xf32, #tpu.memory_space<vmem>>, vector<1x16xf32>,
        %get3A_188 = arith.index_cast %scan3A_133 : i32 to index
        %get3A_189 = arith.constant 48 : index
        %get3A_190 = tpu.vector_load %arg11[%get3A_188, %get3A_189] {strides = array<i32>} : memref<96x128xf32, #tpu.memory_space<vmem>>, vector<1x16xf32>,
        %get3A_191 = vector.shape_cast %get3A_190 : vector<1x16xf32> to vector<16xf32>
        %add3A_192 = arith.constant 104 : i32
        %add3A_193 = arith.addi %add3A_192, %scan3A_133 : i32
        %get3A_194 = arith.index_cast %add3A_193 : i32 to index
        %get3A_195 = arith.constant 48 : index
        %get3A_196 = tpu.vector_load %arg7[%get3A_194, %get3A_195] {strides = array<i32>} : memref<200x128xf32, #tpu.memory_space<vmem>>, vector<1x16xf32>,
        %get3A_197 = vector.shape_cast %get3A_196 : vector<1x16xf32> to vector<16xf32>
        %add3A_198 = arith.addf %get3A_191, %get3A_197 : vector<16xf32>
        %max3A_199 = arith.constant 0.000000e+00 : f32
        %max3A_200 = vector.broadcast %max3A_199 : f32 to vector<16xf32>
        %max3A_201 = arith.maximumf %add3A_198, %max3A_200 : vector<16xf32>
        %swap3A_202 = arith.index_cast %scan3A_133 : i32 to index
        %swap3A_203 = arith.constant 48 : index
        %swap3A_204 = tpu.vector_load %arg11[%swap3A_202, %swap3A_203] {strides = array<i32>} : memref<96x128xf32, #tpu.memory_space<vmem>>, vector<1x16xf32>,
        %swap3A_205 = vector.shape_cast %swap3A_204 : vector<1x16xf32> to vector<16xf32>
        %swap3A_206 = vector.shape_cast %max3A_201 : vector<16xf32> to vector<1x16xf32>
        tpu.vector_store %arg11[%swap3A_202, %swap3A_203], %swap3A_206 {strides = array<i32>} : memref<96x128xf32, #tpu.memory_space<vmem>>, vector<1x16xf32>,
        %get3A_207 = arith.index_cast %scan3A_133 : i32 to index
        %get3A_208 = arith.constant 64 : index
        %get3A_209 = tpu.vector_load %arg11[%get3A_207, %get3A_208] {strides = array<i32>} : memref<96x128xf32, #tpu.memory_space<vmem>>, vector<1x16xf32>,
        %get3A_210 = vector.shape_cast %get3A_209 : vector<1x16xf32> to vector<16xf32>
        %add3A_211 = arith.constant 104 : i32
        %add3A_212 = arith.addi %add3A_211, %scan3A_133 : i32
        %get3A_213 = arith.index_cast %add3A_212 : i32 to index
        %get3A_214 = arith.constant 64 : index
        %get3A_215 = tpu.vector_load %arg7[%get3A_213, %get3A_214] {strides = array<i32>} : memref<200x128xf32, #tpu.memory_space<vmem>>, vector<1x16xf32>,
        %get3A_216 = vector.shape_cast %get3A_215 : vector<1x16xf32> to vector<16xf32>
        %add3A_217 = arith.addf %get3A_210, %get3A_216 : vector<16xf32>
        %max3A_218 = arith.constant 0.000000e+00 : f32
        %max3A_219 = vector.broadcast %max3A_218 : f32 to vector<16xf32>
        %max3A_220 = arith.maximumf %add3A_217, %max3A_219 : vector<16xf32>
        %swap3A_221 = arith.index_cast %scan3A_133 : i32 to index
        %swap3A_222 = arith.constant 64 : index
        %swap3A_223 = tpu.vector_load %arg11[%swap3A_221, %swap3A_222] {strides = array<i32>} : memref<96x128xf32, #tpu.memory_space<vmem>>, vector<1x16xf32>,
        %swap3A_224 = vector.shape_cast %swap3A_223 : vector<1x16xf32> to vector<16xf32>
        %swap3A_225 = vector.shape_cast %max3A_220 : vector<16xf32> to vector<1x16xf32>
        tpu.vector_store %arg11[%swap3A_221, %swap3A_222], %swap3A_225 {strides = array<i32>} : memref<96x128xf32, #tpu.memory_space<vmem>>, vector<1x16xf32>,
        %get3A_226 = arith.index_cast %scan3A_133 : i32 to index
        %get3A_227 = arith.constant 80 : index
        %get3A_228 = tpu.vector_load %arg11[%get3A_226, %get3A_227] {strides = array<i32>} : memref<96x128xf32, #tpu.memory_space<vmem>>, vector<1x16xf32>,
        %get3A_229 = vector.shape_cast %get3A_228 : vector<1x16xf32> to vector<16xf32>
        %add3A_230 = arith.constant 104 : i32
        %add3A_231 = arith.addi %add3A_230, %scan3A_133 : i32
        %get3A_232 = arith.index_cast %add3A_231 : i32 to index
        %get3A_233 = arith.constant 80 : index
        %get3A_234 = tpu.vector_load %arg7[%get3A_232, %get3A_233] {strides = array<i32>} : memref<200x128xf32, #tpu.memory_space<vmem>>, vector<1x16xf32>,
        %get3A_235 = vector.shape_cast %get3A_234 : vector<1x16xf32> to vector<16xf32>
        %add3A_236 = arith.addf %get3A_229, %get3A_235 : vector<16xf32>
        %max3A_237 = arith.constant 0.000000e+00 : f32
        %max3A_238 = vector.broadcast %max3A_237 : f32 to vector<16xf32>
        %max3A_239 = arith.maximumf %add3A_236, %max3A_238 : vector<16xf32>
        %swap3A_240 = arith.index_cast %scan3A_133 : i32 to index
        %swap3A_241 = arith.constant 80 : index
        %swap3A_242 = tpu.vector_load %arg11[%swap3A_240, %swap3A_241] {strides = array<i32>} : memref<96x128xf32, #tpu.memory_space<vmem>>, vector<1x16xf32>,
        %swap3A_243 = vector.shape_cast %swap3A_242 : vector<1x16xf32> to vector<16xf32>
        %swap3A_244 = vector.shape_cast %max3A_239 : vector<16xf32> to vector<1x16xf32>
        tpu.vector_store %arg11[%swap3A_240, %swap3A_241], %swap3A_244 {strides = array<i32>} : memref<96x128xf32, #tpu.memory_space<vmem>>, vector<1x16xf32>,
        %get3A_245 = arith.index_cast %scan3A_133 : i32 to index
        %get3A_246 = arith.constant 96 : index
        %get3A_247 = tpu.vector_load %arg11[%get3A_245, %get3A_246] {strides = array<i32>} : memref<96x128xf32, #tpu.memory_space<vmem>>, vector<1x16xf32>,
        %get3A_248 = vector.shape_cast %get3A_247 : vector<1x16xf32> to vector<16xf32>
        %add3A_249 = arith.constant 104 : i32
        %add3A_250 = arith.addi %add3A_249, %scan3A_133 : i32
        %get3A_251 = arith.index_cast %add3A_250 : i32 to index
        %get3A_252 = arith.constant 96 : index
        %get3A_253 = tpu.vector_load %arg7[%get3A_251, %get3A_252] {strides = array<i32>} : memref<200x128xf32, #tpu.memory_space<vmem>>, vector<1x16xf32>,
        %get3A_254 = vector.shape_cast %get3A_253 : vector<1x16xf32> to vector<16xf32>
        %add3A_255 = arith.addf %get3A_248, %get3A_254 : vector<16xf32>
        %max3A_256 = arith.constant 0.000000e+00 : f32
        %max3A_257 = vector.broadcast %max3A_256 : f32 to vector<16xf32>
        %max3A_258 = arith.maximumf %add3A_255, %max3A_257 : vector<16xf32>
        %swap3A_259 = arith.index_cast %scan3A_133 : i32 to index
        %swap3A_260 = arith.constant 96 : index
        %swap3A_261 = tpu.vector_load %arg11[%swap3A_259, %swap3A_260] {strides = array<i32>} : memref<96x128xf32, #tpu.memory_space<vmem>>, vector<1x16xf32>,
        %swap3A_262 = vector.shape_cast %swap3A_261 : vector<1x16xf32> to vector<16xf32>
        %swap3A_263 = vector.shape_cast %max3A_258 : vector<16xf32> to vector<1x16xf32>
        tpu.vector_store %arg11[%swap3A_259, %swap3A_260], %swap3A_263 {strides = array<i32>} : memref<96x128xf32, #tpu.memory_space<vmem>>, vector<1x16xf32>,
        %get3A_264 = arith.index_cast %scan3A_133 : i32 to index
        %get3A_265 = arith.constant 112 : index
        %get3A_266 = tpu.vector_load %arg11[%get3A_264, %get3A_265] {strides = array<i32>} : memref<96x128xf32, #tpu.memory_space<vmem>>, vector<1x16xf32>,
        %get3A_267 = vector.shape_cast %get3A_266 : vector<1x16xf32> to vector<16xf32>
        %add3A_268 = arith.constant 104 : i32
        %add3A_269 = arith.addi %add3A_268, %scan3A_133 : i32
        %get3A_270 = arith.index_cast %add3A_269 : i32 to index
        %get3A_271 = arith.constant 112 : index
        %get3A_272 = tpu.vector_load %arg7[%get3A_270, %get3A_271] {strides = array<i32>} : memref<200x128xf32, #tpu.memory_space<vmem>>, vector<1x16xf32>,
        %get3A_273 = vector.shape_cast %get3A_272 : vector<1x16xf32> to vector<16xf32>
        %add3A_274 = arith.addf %get3A_267, %get3A_273 : vector<16xf32>
        %max3A_275 = arith.constant 0.000000e+00 : f32
        %max3A_276 = vector.broadcast %max3A_275 : f32 to vector<16xf32>
        %max3A_277 = arith.maximumf %add3A_274, %max3A_276 : vector<16xf32>
        %swap3A_278 = arith.index_cast %scan3A_133 : i32 to index
        %swap3A_279 = arith.constant 112 : index
        %swap3A_280 = tpu.vector_load %arg11[%swap3A_278, %swap3A_279] {strides = array<i32>} : memref<96x128xf32, #tpu.memory_space<vmem>>, vector<1x16xf32>,
        %swap3A_281 = vector.shape_cast %swap3A_280 : vector<1x16xf32> to vector<16xf32>
        %swap3A_282 = vector.shape_cast %max3A_277 : vector<16xf32> to vector<1x16xf32>
        tpu.vector_store %arg11[%swap3A_278, %swap3A_279], %swap3A_282 {strides = array<i32>} : memref<96x128xf32, #tpu.memory_space<vmem>>, vector<1x16xf32>,
      }
      %scan3A_126 = arith.constant 96 : i32
      %add3A_127 = arith.constant 104 : i32
      %add3A_128 = arith.addi %add3A_32, %add3A_127 : i32
      %dma_start3A_129 = arith.constant 0 : i32
      %dma_start3A_130 = tpu.memref_slice %arg5[%add3A_128, %dma_start3A_129] : memref<204800x128xf32, #tpu.memory_space<hbm>> -> memref<96x128xf32, #tpu.memory_space<hbm>>
      %dma_start3A_131 = arith.constant 0 : i32
      %dma_start3A_132 = tpu.memref_slice %arg5[%add3A_128, %dma_start3A_131] : memref<204800x128xf32, #tpu.memory_space<hbm>> -> memref<96x128xf32, #tpu.memory_space<hbm>>
      tpu.enqueue_dma source(%arg11 : memref<96x128xf32, #tpu.memory_space<vmem>>) target(%dma_start3A_132 : memref<96x128xf32, #tpu.memory_space<hbm>>) target_semaphore(%arg19 : memref<!tpu.dma_semaphore, #tpu.memory_space<semaphore_mem>>)
    }
    %scan3A_16 = arith.constant 16 : i32
    %dma_wait3A = arith.constant 0 : i32
    %dma_wait3A_17 = tpu.memref_slice %arg5[%mul3A_2, %dma_wait3A] : memref<204800x128xf32, #tpu.memory_space<hbm>> -> memref<104x128xf32, #tpu.memory_space<hbm>>
    %dma_wait3A_18 = arith.constant 0 : i32
    %dma_wait3A_19 = tpu.memref_slice %arg5[%mul3A_2, %dma_wait3A_18] : memref<204800x128xf32, #tpu.memory_space<hbm>> -> memref<104x128xf32, #tpu.memory_space<hbm>>
    tpu.wait_dma2 semaphore(%arg17 : memref<!tpu.dma_semaphore, #tpu.memory_space<semaphore_mem>>) src(%arg9 : memref<104x128xf32, #tpu.memory_space<vmem>>) dst(%dma_wait3A_19 : memref<104x128xf32, #tpu.memory_space<hbm>>)
    %dma_wait3A_20 = arith.constant 0 : i32
    %dma_wait3A_21 = tpu.memref_slice %arg5[%mul3A_2, %dma_wait3A_20] : memref<204800x128xf32, #tpu.memory_space<hbm>> -> memref<96x128xf32, #tpu.memory_space<hbm>>
    %dma_wait3A_22 = arith.constant 0 : i32
    %dma_wait3A_23 = tpu.memref_slice %arg5[%mul3A_2, %dma_wait3A_22] : memref<204800x128xf32, #tpu.memory_space<hbm>> -> memref<96x128xf32, #tpu.memory_space<hbm>>
    tpu.wait_dma2 semaphore(%arg19 : memref<!tpu.dma_semaphore, #tpu.memory_space<semaphore_mem>>) src(%arg11 : memref<96x128xf32, #tpu.memory_space<vmem>>) dst(%dma_wait3A_23 : memref<96x128xf32, #tpu.memory_space<hbm>>)
    return
  }
}

</mosaic_0001>

<sc_bundles>
// kernel: kernel.3.cloned.1.call-start
scs
__scs_entry_jumppad:
0x0: {  	(pc) =	sbr.rel $0x88, $3  }
0x1: {  	(tag) =	ssettag $0x0;
	lr =	simm.s32 $0x1  }
0x2: {  	[smem:$0x3F9E] =	sst lr;
	_ =	strace $0xD0000000  }
0x3: {  	_ = 	snop  }
0x4: {  	_ = 	snop  }
0x5: {  	_ = 	snop  }
0x6: {  	_ = 	snop  }
0x7: {  	_ = 	snop  }
__scs_overlays_trampoline_lowered:
0x8: {  	[smem:$0x3FAD] =	sst s0  }
0x9: {  	[smem:$0x3FAE] =	sst s1  }
0xa: {  	[smem:$0x3FAF] =	sst s2  }
0xb: {  	[smem:$0x3FB0] =	sst s3  }
0xc: {  	[smem:$0x3FB1] =	sst s4  }
0xd: {  	[smem:$0x3FB2] =	sst s5  }
0xe: {  	[smem:$0x3FB3] =	sst s6  }
0xf: {  	[smem:$0x3FB4] =	sst s7  }
0x10: {  	[smem:$0x3FB5] =	sst s8  }
0x11: {  	[smem:$0x3FB6] =	sst s9;
	s0 =	simm.s32 @!p0 $0x0  }
0x12: {  	s1 =	sld [smem:$0x3F9C];
	s0 =	simm.s32 @p0 $0x1  }
0x13: {  	[smem:$0x3FB7] =	sst s0;
	s0 =	simm.s32 @!p1 $0x0  }
0x14: {  	s2 =	sld [smem:$0x3F9B];
	s0 =	simm.s32 @p1 $0x1  }
0x15: {  	[smem:$0x3FB8] =	sst s0;
	s0 =	simm.s32 @!p2 $0x0  }
0x16: {  	s3 =	sld [smem:$0x3FDB];
	s0 =	simm.s32 @p2 $0x1  }
0x17: {  	s4 =	simm.s32 $0x1BF5;
	[smem:$0x3FBA] =	sst s0  }
0x18: {  	s0 =	sld [smem:$0x3F9D];
	_ =	swait.ge [sflag:s4], $0x0  }
0x19: {  	s7 =	sld [smem:$0x3F9E]  }
0x1a: {  	s8 =	sadd.s32 $0xFFFFE003, lr  }
0x1b: {  	s9 =	sadd.s32 $0xFFFFFEF7, lr;
	s5 =	simm.s32 $0xFFFFFFFF;
	p2 =	slt.u32 s8, $0xFFFFF086  }
0x1c: {  	p1 =	slt.u32 s9, $0xF7A;
	s5 =	simm.s32 @!p2 $0x0  }
0x1d: {  	s5 =	simm.s32 @p1 $0x1;
	p0 =	seq.s32 s7, s2  }
0x1e: {  	s7 =	smul.u32 @!p0 $0xF7A, s2;
	p2 =	seq.s32 @!p0 s5, $0x0  }
0x1f: {  	s9 =	smul.u32 $0xF7A, s1;
	s8 =	simm.s32 @!p0 $0x1BF5;
	p2 =	por !p2, p0  }
0x20: {  	[sflag:s8] =	ssyncset.s32 @!p0 $0xFFFFF086;
	s6 =	sadd.s32 @!p0 s3, s7;
	s7 =	simm.s32 @!p0 $0x108  }
0x21: {  	s3 =	sadd.s32 s3, s9;
	s6 =	sadd.s32 @!p0 $0x88, s6;
	s7 =	simm.s32 @p2 $0x1082  }
0x22: {  	[simem:s7], [sflag:s8] =	dma.local @!p0 [hbm:s6], $0xF7A  }
0x23: {  	s9 =	sor.u32 $0xD0000000, s2;
	s6 =	simm.s32 $0x108;
	_ =	swait.ge @!p0 [sflag:s8], $0x0  }
0x24: {  	s3 =	sadd.s32 $0x88, s3;
	s6 =	simm.s32 @!p1 $0x1082;
	[sflag:s4] =	ssyncset.s32 $0xFFFFF086  }
0x25: {  	[simem:s6], [sflag:s4] =	dma.local [hbm:s3], $0xF7A  }
0x26: {  	[smem:$0x3F9E] =	sst s1;
	(tag) =	ssettag s2;
	_ =	strace s9  }
0x27: {  	s1 =	sld [smem:$0x3FAE]  }
0x28: {  	s2 =	sld [smem:$0x3FAF]  }
0x29: {  	s4 =	sld [smem:$0x3FB1]  }
0x2a: {  	p0 =	seq.s32 s5, $0x0;
	s5 =	sld [smem:$0x3FB2]  }
0x2b: {  	s6 =	sld [smem:$0x3FB3]  }
0x2c: {  	s7 =	sld [smem:$0x3FB4]  }
0x2d: {  	s3 =	simm.s32 $0x108;
	s8 =	sld [smem:$0x3FB5]  }
0x2e: {  	s3 =	simm.s32 @!p0 $0x1082;
	s9 =	sld [smem:$0x3FB6]  }
0x2f: {  	lr =	sadd.s32 s0, s3;
	s0 =	sld [smem:$0x3FAD]  }
0x30: {  	s3 =	sld [smem:$0x3FB0]  }
0x31: {  	[smem:$0x3FB9] =	sst s10  }
0x32: {  	s10 =	sld [smem:$0x3FB7];
	_ =	sdelay $0x3  }
0x33: {  	p0 =	seq.s32 s10, $0x1;
	s10 =	sld [smem:$0x3FB9];
	_ =	sdelay $0x3  }
0x34: {  	[smem:$0x3FB9] =	sst s10  }
0x35: {  	s10 =	sld [smem:$0x3FB8];
	_ =	sdelay $0x3  }
0x36: {  	p1 =	seq.s32 s10, $0x1;
	s10 =	sld [smem:$0x3FB9];
	_ =	sdelay $0x3  }
0x37: {  	[smem:$0x3FB9] =	sst s10  }
0x38: {  	s10 =	sld [smem:$0x3FBA]  }
0x39: {  	_ = 	snop;
	(pc) =	sbr.ind lr, $3  }
0x3a: {  	_ = 	snop  }
0x3b: {  	_ = 	snop  }
0x3c: {  	p2 =	seq.s32 s10, $0x1;
	s10 =	sld [smem:$0x3FB9]  }
0x3d: {  	_ =	shalt  }
0x3e: {  	_ =	shalt  }
0x3f: {  	_ =	shalt  }
0x40: {  	_ =	shalt  }
0x41: {  	_ =	shalt  }
0x42: {  	_ =	shalt  }
0x43: {  	_ =	shalt  }
0x44: {  	_ =	shalt  }
0x45: {  	_ =	shalt  }
0x46: {  	_ =	shalt  }
0x47: {  	_ =	shalt  }
0x48: {  	_ =	shalt  }
0x49: {  	_ =	shalt  }
0x4a: {  	_ =	shalt  }
0x4b: {  	_ =	shalt  }
0x4c: {  	_ =	shalt  }
0x4d: {  	_ =	shalt  }
0x4e: {  	_ =	shalt  }
0x4f: {  	_ =	shalt  }
0x50: {  	_ =	shalt  }
0x51: {  	_ =	shalt  }
0x52: {  	_ =	shalt  }
0x53: {  	_ =	shalt  }
0x54: {  	_ =	shalt  }
0x55: {  	_ =	shalt  }
0x56: {  	_ =	shalt  }
0x57: {  	_ =	shalt  }
0x58: {  	_ =	shalt  }
0x59: {  	_ =	shalt  }
0x5a: {  	_ =	shalt  }
0x5b: {  	_ =	shalt  }
0x5c: {  	_ =	shalt  }
0x5d: {  	_ =	shalt  }
0x5e: {  	_ =	shalt  }
0x5f: {  	_ =	shalt  }
0x60: {  	_ =	shalt  }
0x61: {  	_ =	shalt  }
0x62: {  	_ =	shalt  }
0x63: {  	_ =	shalt  }
0x64: {  	_ =	shalt  }
0x65: {  	_ =	shalt  }
0x66: {  	_ =	shalt  }
0x67: {  	_ =	shalt  }
0x68: {  	_ =	shalt  }
0x69: {  	_ =	shalt  }
0x6a: {  	_ =	shalt  }
0x6b: {  	_ =	shalt  }
0x6c: {  	_ =	shalt  }
0x6d: {  	_ =	shalt  }
0x6e: {  	_ =	shalt  }
0x6f: {  	_ =	shalt  }
0x70: {  	_ =	shalt  }
0x71: {  	_ =	shalt  }
0x72: {  	_ =	shalt  }
0x73: {  	_ =	shalt  }
0x74: {  	_ =	shalt  }
0x75: {  	_ =	shalt  }
0x76: {  	_ =	shalt  }
0x77: {  	_ =	shalt  }
0x78: {  	_ =	shalt  }
0x79: {  	_ =	shalt  }
0x7a: {  	_ =	shalt  }
0x7b: {  	_ =	shalt  }
0x7c: {  	_ =	shalt  }
0x7d: {  	_ =	shalt  }
0x7e: {  	_ =	shalt  }
0x7f: {  	_ =	shalt  }
0x80: {  	_ =	shalt  }
0x81: {  	_ =	shalt  }
0x82: {  	_ =	shalt  }
0x83: {  	_ =	shalt  }
0x84: {  	_ =	shalt  }
0x85: {  	_ =	shalt  }
0x86: {  	_ =	shalt  }
0x87: {  	_ =	shalt  }
.Lfunc_end0:
.L_simem_size_0:
called_computation_lowered:
.L_overlay_start_0:
0x88: {  	s2 =	sld [smem:$0x3FD9]  }
0x89: {  	s3 =	sld [smem:$0x3FFE];
	_ =	sdelay $0x1  }
0x8a: {  	s1 =	srdreg.scid  }
0x8b: {  	s0 =	sand.u32 $0x1, s1  }
0x8c: {  	s17 =	sshll.u32 s0, $0xA;
	s2 =	sadd.s32 s3, s2  }
0x8d: {  	s2 =	sadd.s32 s2, s17  }
0x8e: {  	[smem:$0x3FC5] =	sst s2  }
0x8f: {  	_ = 	snop  }
0x90: {  	s2 =	sld [smem:$0x3FC8]  }
0x91: {  	s18 =	sld [smem:$0x3FC7]  }
0x92: {  	s4 =	sld [smem:$0x3FD0];
	(tm) =	ssettm $0x1  }
0x93: {  	s5 =	sld [smem:$0x3FFB];
	_ =	sdelay $0x3  }
0x94: {  	_ =	strace s5  }
0x95: {  	s5 =	sld [smem:$0x3FFC];
	_ =	sdelay $0x3  }
0x96: {  	_ =	strace s5  }
0x97: {  	s5 =	sld [smem:$0x3FFD];
	_ =	sdelay $0x3  }
0x98: {  	_ =	strace s5  }
0x99: {  	_ =	strace $0x8FFFFFFF  }
0x9a: {  	s19 =	sld [smem:$0x3FDB];
	_ =	sdelay $0x1  }
0x9b: {  	s6 =	simm.s32 $_scs_section_size  }
0x9c: {  	s7 =	simm.s32 $_size__tile_overlayer_lowered;
	s8 =	simm.s32 $_tile_overlayer_lowered  }
0x9d: {  	s22 =	simm.s32 $0x1BFF;
	s21 =	sshll.u32 s8, $0x1;
	s5 =	sadd.s32 s6, s19  }
0x9e: {  	s9 =	simm.s32 $0x0;
	s20 =	sshll.u32 s7, $0x1;
	s7 =	sadd.s32 s21, s5  }
0x9f: {  	[timem:s9], [sflag:s22] =	dma.local [hbm:s7], s20  }
0xa0: {  	_ =	swait.ge [sflag:s22], s20  }
0xa1: {  	s6 =	ssub.s32 $0x0, s20;
	[sflag:s22] =	ssyncset.done $0x0  }
0xa2: {  	[sflag:s22] =	ssyncadd.s32 s6;
	_ =	sdelay $0x1  }
0xa3: {  	s23 =	simm.s32 $0x1B8B  }
0xa4: {  	_ =	swait.ge [sflag:s23], $0x1  }
0xa5: {  	[sflag:s23] =	ssyncset.done $0x0  }
0xa6: {  	s25 =	simm.s32 $0x1B8E;
	s24 =	sld [smem:$0x3FFE];
	[sflag:s23] =	ssyncadd.s32 $0xFFFFFFFF  }
0xa7: {  	s26 =	simm.s32 $execute0_lowered;
	[smem:$0x3FD2] =	sst s25  }
0xa8: {  	s7 =	sshll.u32 s26, $0x1;
	_ =	strace $0x80000046;
	[dreg:$0x1] =	wrdreg $0xFFFFFFFF  }
0xa9: {  	s28 =	simm.s32 $_size_execute0_lowered;
	s5 =	sadd.s32 s5, s7;
	[dreg:$0x0] =	wrdreg $0x0  }
0xaa: {  	s7 =	sshll.u32 s28, $0x1;
	[dreg:$0x2] =	wrdreg s5  }
0xab: {  	[dreg:$0x3] =	wrdreg s7  }
0xac: {  	[dreg:$0x4] =	wrdreg $0xC0  }
0xad: {  	_ =	task [dreg:s9], $0x5FFFF  }
0xae: {  	[dreg:$0x1] =	wrdreg $0xFFFFFFFF  }
0xaf: {  	[dreg:$0x0] =	wrdreg $0x60  }
0xb0: {  	[dreg:$0x2] =	wrdreg s24  }
0xb1: {  	[dreg:$0x3] =	wrdreg s2  }
0xb2: {  	[dreg:$0x4] =	wrdreg s18  }
0xb3: {  	[dreg:$0x5] =	wrdreg s4  }
0xb4: {  	[dreg:$0x6] =	wrdreg $0x9  }
0xb5: {  	_ =	task.clear_ibuf [dreg:s9], $0x7FFFF;
	_ =	strace $0x90000046  }
0xb6: {  	s29 =	simm.s32 $0x9;
	_ =	strace $0x80000048  }
0xb7: {  	_ =	swait.ge [sflag:s29], $0x1  }
0xb8: {  	[sflag:s29] =	ssyncadd.s32 $0xFFFFFFFF  }
0xb9: {  	_ =	strace $0x90000048  }
0xba: {  	_ =	sfence  }
0xbb: {  	s30 =	sld [smem:$0x0];
	_ =	sdelay $0x2  }
0xbc: {  	s31 =	sshll.u32 s1, $0xD;
	s1 =	sshrl.u32 s1, $0x2  }
0xbd: {  	s3 =	sand.u32 $0x4000, s31;
	s1 =	sadd.s32 s1, s30  }
0xbe: {  	s0 =	sor.u32 s3, s0;
	s1 =	sshll.u32 s1, $0x11  }
0xbf: {  	s0 =	sor.u32 s1, s0  }
0xc0: {  	s0 =	sadd.s32 $0x8F2B, s0  }
0xc1: {  	[sflag:s0] =	ssyncadd.remote.s32 $0x1  }
0xc2: {  	_ =	sfence.sel $0xFFFF  }
0xc3: {  	[dreg:$0x0] =	wrdreg $0xFFFFFFFF;
	(pc) =	sbr.abs _section_cstart, $3  }
0xc4: {  	[dreg:$0x1] =	wrdreg $0xFFFFFFFF  }
0xc5: {  	_ =	task.clear_ibuf [dreg:s9], $0x2FFFF;
	_ =	strace $0x9FFFFFFF  }
0xc6: {  	(tm) =	ssettm $0x7FFFFFFF  }
0xc7: {  	_ =	shalt  }
tec
execute0_lowered:
.L_overlay_start_1:
0x0: {  	(tag) =	ssettag $0x1  }
0x1: {  	s0 =	rddreg [dreg:$0x0];
	s2 =	srdreg.scid  }
0x2: {  	s3 =	stileid.u32;
	s1 =	rddreg [dreg:$0x1]  }
0x3: {  	s6 =	simm.s32 $0x0;
	s10 =	simm.s32 $0x9;
	s11 =	simm.s32 $0x68  }
0x4: {  	s12 =	simm.s32 $0x7D00;
	s13 =	simm.s32 $0x60;
	s14 =	simm.s32 $0xE500  }
0x5: {  	s15 =	simm.s32 $0x1900;
	s16 =	simm.s32 $0x1;
	s17 =	simm.s32 $0xB100  }
0x6: {  	s18 =	simm.s32 $0x3;
	s19 =	simm.s32 $0x11500;
	s20 =	simm.s32 $0x2  }
0x7: {  	s21 =	simm.s32 $0x5;
	s2 =	sand.u32 $0x1, s2;
	s4 =	sshll.u32 s3, $0x1  }
0x8: {  	s22 =	simm.s32 $0x4;
	s23 =	simm.s32 $0x7;
	s5 =	sor.u32 s2, s4  }
0x9: {  	s24 =	simm.s32 $0x6;
	s25 =	simm.s32 $0x8;
	s5 =	smul.u32 $0x1900, s5  }
0xa: {  	s26 =	simm.s32 $0x0;
	[smem:$0x7FF] =	sst s6;
	s2 =	ssub.s32 $0x2, s2  }
0xb: {  	s4 =	rddreg [dreg:$0x3];
	s31 =	sshrl.u32 s2, $0x1;
	s7 =	sshrl.u32 s5, $0x3  }
0xc: {  	_ =	strace $0x80000047;
	s2 =	ssub.s32 s2, s31;
	s0 =	sadd.s32 s7, s0  }
0xd: {  	s8 =	sadd.s32 $0x680, s4;
	s9 =	smax.u32 s2, $0x1;
	s7 =	sadd.s32 $0x400, s0  }
.LBB2_1:
0xe: {  	[tilespmem:s6], [sflag:$0x9] =	stream.linear.gather [hbm4b:s7+s6], $0x1900, $0x38;
	[tilespmem:$0x14500] =	vst v63  }
0xf: {  	_ =	swait.ge [sflag:s10], $0x1900  }
0x10: {  	[sflag:s10] =	ssyncset.done $0x0  }
0x11: {  	[sflag:s10] =	ssyncadd.s32 $0xFFFFE700  }
0x12: {  	[tilespmem:s12], [sflag:$0x1] =	stream.indirect.gather [hbm4b:s1+s11], $0x80, s6, s11, $0xb8;
	[tilespmem:$0x14500] =	vst v63  }
0x13: {  	_ = 	snop  }
0x14: {  	[tilespmem:s14], [sflag:$0x3] =	stream.indirect.gather [hbm4b:s1+s13], $0x80, s11, s13, $0xb8;
	[tilespmem:$0x14500] =	vst v63  }
0x15: {  	s0 =	rddreg [dreg:$0x2]  }
0x16: {  	[tilespmem:s15], [sflag:$0x9] =	stream.linear.gather [hbm4b:s0+s6], $0x6400, $0x38;
	[tilespmem:$0x14500] =	vst v63  }
0x17: {  	_ =	swait.ge [sflag:s10], $0x6400  }
0x18: {  	[sflag:s10] =	ssyncset.done $0x0  }
0x19: {  	s28 =	simm.s32 $0x0;
	[sflag:s10] =	ssyncadd.s32 $0xFFFF9C00  }
.LBB2_2:
0x1a: {  	_ =	swait.ge [sflag:s16], $0x3400  }
0x1b: {  	p0 =	seq.s32 s28, $0x0;
	[sflag:s16] =	ssyncset.done $0x0  }
0x1c: {  	s0 =	simm.s32 @!p0 $0x6;
	[sflag:s16] =	ssyncadd.s32 $0xFFFFCC00  }
0x1d: {  	s29 =	smul.u32 $0x190, s28;
	_ =	swait.ge @!p0 [sflag:s0], $0x3400  }
0x1e: {  	[sflag:s0] =	ssyncset.done @!p0 $0x0  }
0x1f: {  	s2 =	simm.s32 $0x0;
	s30 =	sadd.s32 $0xC8, s29;
	[sflag:s0] =	ssyncadd.s32 @!p0 $0xFFFFCC00  }
0x20: {  	[tilespmem:s17], [sflag:$0x2] =	stream.indirect.gather [hbm4b:s1+s11], $0x80, s30, s11, $0xb8;
	[tilespmem:$0x14500] =	vst v63  }
0x21: {  	v7 =	vld [tilespmem:s2+$0x1900]  }
0x22: {  	v11 =	vld [tilespmem:s2+$0x1910]  }
0x23: {  	v5 =	vld [tilespmem:s2+$0x1920]  }
0x24: {  	v4 =	vld [tilespmem:s2+$0x1930]  }
0x25: {  	v3 =	vld [tilespmem:s2+$0x1940]  }
0x26: {  	v2 =	vld [tilespmem:s2+$0x1950]  }
0x27: {  	v1 =	vld [tilespmem:s2+$0x1960]  }
0x28: {  	v0 =	vld [tilespmem:s2+$0x1970]  }
0x29: {  	v12 =	vld [tilespmem:s2+$0x7D00]  }
0x2a: {  	v13 =	vld [tilespmem:s2+$0x7D10]  }
0x2b: {  	v10 =	vld [tilespmem:s2+$0x7D20]  }
0x2c: {  	v9 =	vld [tilespmem:s2+$0x7D30]  }
0x2d: {  	v8 =	vld [tilespmem:s2+$0x7D40]  }
0x2e: {  	v6 =	vld [tilespmem:s2+$0x7D50];
	v12 =	vadd.f32 v7, v12  }
0x2f: {  	s31 =	sadd.s32 s5, s29;
	s0 =	simm.s32 $0x200;
	s30 =	sadd.s32 s5, s30;
	v11 =	vadd.f32 v11, v13;
	v7 =	vld [tilespmem:s2+$0x7D60]  }
.LBB2_3:
0x30: {  	s3 =	sshra.s32 s0, $0x2;
	p1 =	sne.s32 s0, $0xCE00;
	v12 =	vmax.f32 v12, $0.0e+00;
	v5 =	vadd.f32 v5, v10;
	v10 =	vld [tilespmem:s2+$0x7D70]  }
0x31: {  	v13 =	vld [tilespmem:s3+$0x1900];
	[tilespmem:s2+$0x7D00] =	vst v12;
	v11 =	vmax.f32 v11, $0.0e+00;
	v4 =	vadd.f32 v4, v9  }
0x32: {  	v14 =	vld [tilespmem:s3+$0x1910];
	[tilespmem:s2+$0x7D10] =	vst v11;
	v9 =	vmax.f32 v5, $0.0e+00;
	v3 =	vadd.f32 v3, v8  }
0x33: {  	v5 =	vld [tilespmem:s3+$0x1920];
	[tilespmem:s2+$0x7D20] =	vst v9;
	v8 =	vmax.f32 v4, $0.0e+00;
	v2 =	vadd.f32 v2, v6  }
0x34: {  	v4 =	vld [tilespmem:s3+$0x1930];
	[tilespmem:s2+$0x7D30] =	vst v8;
	v6 =	vmax.f32 v3, $0.0e+00;
	v1 =	vadd.f32 v1, v7  }
0x35: {  	v3 =	vld [tilespmem:s3+$0x1940];
	[tilespmem:s2+$0x7D40] =	vst v6;
	v6 =	vmax.f32 v2, $0.0e+00;
	v0 =	vadd.f32 v0, v10  }
0x36: {  	v2 =	vld [tilespmem:s3+$0x1950];
	[tilespmem:s2+$0x7D50] =	vst v6;
	v6 =	vmax.f32 v1, $0.0e+00  }
0x37: {  	v1 =	vld [tilespmem:s3+$0x1960];
	[tilespmem:s2+$0x7D60] =	vst v6;
	v6 =	vmax.f32 v0, $0.0e+00  }
0x38: {  	v0 =	vld [tilespmem:s3+$0x1970];
	[tilespmem:s2+$0x7D70] =	vst v6;
	s2 =	smov.u32 s3  }
0x39: {  	v6 =	vld [tilespmem:s2+$0x7D00]  }
0x3a: {  	v7 =	vld [tilespmem:s2+$0x7D10]  }
.Ltmp0:
0x3b: {  	v10 =	vld [tilespmem:s2+$0x7D20];
	(pc) =	sbr.rel @p1 .LBB2_3-.Ltmp0, $4  }
0x3c: {  	v9 =	vld [tilespmem:s2+$0x7D30]  }
0x3d: {  	v8 =	vld [tilespmem:s2+$0x7D40]  }
0x3e: {  	v12 =	vadd.f32 v13, v6;
	v6 =	vld [tilespmem:s2+$0x7D50]  }
0x3f: {  	s0 =	sadd.s32 $0x200, s0;
	v11 =	vadd.f32 v14, v7;
	v7 =	vld [tilespmem:s2+$0x7D60]  }
0x40: {  	v12 =	vmax.f32 v12, $0.0e+00;
	v5 =	vadd.f32 v5, v10;
	v10 =	vld [tilespmem:s2+$0x7D70]  }
0x41: {  	[tilespmem:s2+$0x7D00] =	vst v12;
	v11 =	vmax.f32 v11, $0.0e+00;
	v4 =	vadd.f32 v4, v9  }
0x42: {  	[tilespmem:s2+$0x7D10] =	vst v11;
	v5 =	vmax.f32 v5, $0.0e+00;
	v3 =	vadd.f32 v3, v8  }
0x43: {  	[tilespmem:s2+$0x7D20] =	vst v5;
	v4 =	vmax.f32 v4, $0.0e+00;
	v2 =	vadd.f32 v2, v6  }
0x44: {  	[tilespmem:s2+$0x7D30] =	vst v4;
	v3 =	vmax.f32 v3, $0.0e+00;
	v1 =	vadd.f32 v1, v7  }
0x45: {  	[tilespmem:s2+$0x7D40] =	vst v3;
	v2 =	vmax.f32 v2, $0.0e+00;
	v0 =	vadd.f32 v0, v10  }
0x46: {  	[tilespmem:s2+$0x7D50] =	vst v2;
	v1 =	vmax.f32 v1, $0.0e+00  }
0x47: {  	s31 =	sshll.u32 s31, $0x4;
	[tilespmem:s2+$0x7D60] =	vst v1;
	v0 =	vmax.f32 v0, $0.0e+00  }
0x48: {  	s0 =	sadd.s32 s4, s31;
	[tilespmem:s2+$0x7D70] =	vst v0  }
0x49: {  	[hbm4b:s0+s6] =	stream.linear.scatter [tilespmem:s12], [sflag:$0x5], $0x3400, $0x38;
	[tilespmem:$0x14500] =	vst v63  }
0x4a: {  	_ =	swait.ge [sflag:s18], $0x3000  }
0x4b: {  	[sflag:s18] =	ssyncset.done $0x0  }
0x4c: {  	s0 =	simm.s32 @!p0 $0x8;
	[sflag:s18] =	ssyncadd.s32 $0xFFFFD000  }
0x4d: {  	_ =	swait.ge @!p0 [sflag:s0], $0x3000  }
0x4e: {  	[sflag:s0] =	ssyncset.done @!p0 $0x0  }
0x4f: {  	s3 =	sadd.s32 $0x130, s29;
	s2 =	simm.s32 $0x0;
	[sflag:s0] =	ssyncadd.s32 @!p0 $0xFFFFD000  }
0x50: {  	[tilespmem:s19], [sflag:$0x4] =	stream.indirect.gather [hbm4b:s1+s13], $0x80, s3, s13, $0xb8;
	[tilespmem:$0x14500] =	vst v63  }
0x51: {  	v6 =	vld [tilespmem:s2+$0x4D00]  }
0x52: {  	v11 =	vld [tilespmem:s2+$0x4D10]  }
0x53: {  	v5 =	vld [tilespmem:s2+$0x4D20]  }
0x54: {  	v4 =	vld [tilespmem:s2+$0x4D30]  }
0x55: {  	v3 =	vld [tilespmem:s2+$0x4D40]  }
0x56: {  	v2 =	vld [tilespmem:s2+$0x4D50]  }
0x57: {  	v1 =	vld [tilespmem:s2+$0x4D60]  }
0x58: {  	v0 =	vld [tilespmem:s2+$0x4D70]  }
0x59: {  	v12 =	vld [tilespmem:s2+$0xE500]  }
0x5a: {  	v13 =	vld [tilespmem:s2+$0xE510]  }
0x5b: {  	v10 =	vld [tilespmem:s2+$0xE520]  }
0x5c: {  	v9 =	vld [tilespmem:s2+$0xE530]  }
0x5d: {  	v8 =	vld [tilespmem:s2+$0xE540]  }
0x5e: {  	v7 =	vld [tilespmem:s2+$0xE550];
	v12 =	vadd.f32 v6, v12  }
0x5f: {  	s0 =	simm.s32 $0x200;
	v11 =	vadd.f32 v11, v13;
	v6 =	vld [tilespmem:s2+$0xE560]  }
.LBB2_5:
0x60: {  	s3 =	sshra.s32 s0, $0x2;
	p0 =	sne.s32 s0, $0xBE00;
	v12 =	vmax.f32 v12, $0.0e+00;
	v5 =	vadd.f32 v5, v10;
	v10 =	vld [tilespmem:s2+$0xE570]  }
0x61: {  	v13 =	vld [tilespmem:s3+$0x4D00];
	[tilespmem:s2+$0xE500] =	vst v12;
	v11 =	vmax.f32 v11, $0.0e+00;
	v4 =	vadd.f32 v4, v9  }
0x62: {  	v14 =	vld [tilespmem:s3+$0x4D10];
	[tilespmem:s2+$0xE510] =	vst v11;
	v9 =	vmax.f32 v5, $0.0e+00;
	v3 =	vadd.f32 v3, v8  }
0x63: {  	v5 =	vld [tilespmem:s3+$0x4D20];
	[tilespmem:s2+$0xE520] =	vst v9;
	v8 =	vmax.f32 v4, $0.0e+00;
	v2 =	vadd.f32 v2, v7  }
0x64: {  	v4 =	vld [tilespmem:s3+$0x4D30];
	[tilespmem:s2+$0xE530] =	vst v8;
	v7 =	vmax.f32 v3, $0.0e+00;
	v1 =	vadd.f32 v1, v6  }
0x65: {  	v3 =	vld [tilespmem:s3+$0x4D40];
	[tilespmem:s2+$0xE540] =	vst v7;
	v6 =	vmax.f32 v2, $0.0e+00;
	v0 =	vadd.f32 v0, v10  }
0x66: {  	v2 =	vld [tilespmem:s3+$0x4D50];
	[tilespmem:s2+$0xE550] =	vst v6;
	v6 =	vmax.f32 v1, $0.0e+00  }
0x67: {  	v1 =	vld [tilespmem:s3+$0x4D60];
	[tilespmem:s2+$0xE560] =	vst v6;
	v6 =	vmax.f32 v0, $0.0e+00  }
0x68: {  	v0 =	vld [tilespmem:s3+$0x4D70];
	[tilespmem:s2+$0xE570] =	vst v6;
	s2 =	smov.u32 s3  }
0x69: {  	v6 =	vld [tilespmem:s2+$0xE500]  }
0x6a: {  	v11 =	vld [tilespmem:s2+$0xE510]  }
.Ltmp1:
0x6b: {  	v10 =	vld [tilespmem:s2+$0xE520];
	(pc) =	sbr.rel @p0 .LBB2_5-.Ltmp1, $4  }
0x6c: {  	v9 =	vld [tilespmem:s2+$0xE530]  }
0x6d: {  	v8 =	vld [tilespmem:s2+$0xE540]  }
0x6e: {  	v12 =	vadd.f32 v13, v6;
	v7 =	vld [tilespmem:s2+$0xE550]  }
0x6f: {  	s0 =	sadd.s32 $0x200, s0;
	v11 =	vadd.f32 v14, v11;
	v6 =	vld [tilespmem:s2+$0xE560]  }
0x70: {  	v12 =	vmax.f32 v12, $0.0e+00;
	v5 =	vadd.f32 v5, v10;
	v10 =	vld [tilespmem:s2+$0xE570]  }
0x71: {  	[tilespmem:s2+$0xE500] =	vst v12;
	v11 =	vmax.f32 v11, $0.0e+00;
	v4 =	vadd.f32 v4, v9  }
0x72: {  	[tilespmem:s2+$0xE510] =	vst v11;
	v5 =	vmax.f32 v5, $0.0e+00;
	v3 =	vadd.f32 v3, v8  }
0x73: {  	[tilespmem:s2+$0xE520] =	vst v5;
	v4 =	vmax.f32 v4, $0.0e+00;
	v2 =	vadd.f32 v2, v7  }
0x74: {  	[tilespmem:s2+$0xE530] =	vst v4;
	v3 =	vmax.f32 v3, $0.0e+00;
	v1 =	vadd.f32 v1, v6  }
0x75: {  	[tilespmem:s2+$0xE540] =	vst v3;
	v2 =	vmax.f32 v2, $0.0e+00;
	v0 =	vadd.f32 v0, v10  }
0x76: {  	[tilespmem:s2+$0xE550] =	vst v2;
	v1 =	vmax.f32 v1, $0.0e+00  }
0x77: {  	[tilespmem:s2+$0xE560] =	vst v1;
	v0 =	vmax.f32 v0, $0.0e+00  }
0x78: {  	s0 =	sadd.s32 s31, s8;
	[tilespmem:s2+$0xE570] =	vst v0  }
0x79: {  	[hbm4b:s0+s6] =	stream.linear.scatter [tilespmem:s14], [sflag:$0x7], $0x3000, $0x38;
	[tilespmem:$0x14500] =	vst v63  }
0x7a: {  	_ =	swait.ge [sflag:s20], $0x3400  }
0x7b: {  	[sflag:s20] =	ssyncset.done $0x0  }
0x7c: {  	[sflag:s20] =	ssyncadd.s32 $0xFFFFCC00  }
0x7d: {  	p0 =	seq.s32 s28, $0xF;
	_ =	swait.ge [sflag:s21], $0x3400  }
0x7e: {  	s3 =	simm.s32 @!p0 $0x7D00;
	[sflag:s21] =	ssyncset.done $0x0  }
0x7f: {  	s2 =	simm.s32 @!p0 $0x68;
	s0 =	sadd.s32 @!p0 $0x190, s29;
	[sflag:s21] =	ssyncadd.s32 $0xFFFFCC00  }
0x80: {  	[tilespmem:s3], [sflag:$0x1] =	stream.indirect.gather @!p0 [hbm4b:s1+s2], $0x80, s0, s2, $0xb8;
	[tilespmem:$0x14500] =	vst v63  }
0x81: {  	s2 =	simm.s32 $0x0  }
0x82: {  	v6 =	vld [tilespmem:s2+$0x1900]  }
0x83: {  	v11 =	vld [tilespmem:s2+$0x1910]  }
0x84: {  	v5 =	vld [tilespmem:s2+$0x1920]  }
0x85: {  	v4 =	vld [tilespmem:s2+$0x1930]  }
0x86: {  	v3 =	vld [tilespmem:s2+$0x1940]  }
0x87: {  	v2 =	vld [tilespmem:s2+$0x1950]  }
0x88: {  	v1 =	vld [tilespmem:s2+$0x1960]  }
0x89: {  	v0 =	vld [tilespmem:s2+$0x1970]  }
0x8a: {  	v12 =	vld [tilespmem:s2+$0xB100]  }
0x8b: {  	v13 =	vld [tilespmem:s2+$0xB110]  }
0x8c: {  	v10 =	vld [tilespmem:s2+$0xB120]  }
0x8d: {  	v9 =	vld [tilespmem:s2+$0xB130]  }
0x8e: {  	v8 =	vld [tilespmem:s2+$0xB140]  }
0x8f: {  	v7 =	vld [tilespmem:s2+$0xB150];
	v12 =	vadd.f32 v6, v12  }
0x90: {  	s0 =	simm.s32 $0x200;
	v11 =	vadd.f32 v11, v13;
	v6 =	vld [tilespmem:s2+$0xB160]  }
.LBB2_7:
0x91: {  	s3 =	sshra.s32 s0, $0x2;
	p1 =	sne.s32 s0, $0xCE00;
	v12 =	vmax.f32 v12, $0.0e+00;
	v5 =	vadd.f32 v5, v10;
	v10 =	vld [tilespmem:s2+$0xB170]  }
0x92: {  	v13 =	vld [tilespmem:s3+$0x1900];
	[tilespmem:s2+$0xB100] =	vst v12;
	v11 =	vmax.f32 v11, $0.0e+00;
	v4 =	vadd.f32 v4, v9  }
0x93: {  	v14 =	vld [tilespmem:s3+$0x1910];
	[tilespmem:s2+$0xB110] =	vst v11;
	v9 =	vmax.f32 v5, $0.0e+00;
	v3 =	vadd.f32 v3, v8  }
0x94: {  	v5 =	vld [tilespmem:s3+$0x1920];
	[tilespmem:s2+$0xB120] =	vst v9;
	v8 =	vmax.f32 v4, $0.0e+00;
	v2 =	vadd.f32 v2, v7  }
0x95: {  	v4 =	vld [tilespmem:s3+$0x1930];
	[tilespmem:s2+$0xB130] =	vst v8;
	v7 =	vmax.f32 v3, $0.0e+00;
	v1 =	vadd.f32 v1, v6  }
0x96: {  	v3 =	vld [tilespmem:s3+$0x1940];
	[tilespmem:s2+$0xB140] =	vst v7;
	v6 =	vmax.f32 v2, $0.0e+00;
	v0 =	vadd.f32 v0, v10  }
0x97: {  	v2 =	vld [tilespmem:s3+$0x1950];
	[tilespmem:s2+$0xB150] =	vst v6;
	v6 =	vmax.f32 v1, $0.0e+00  }
0x98: {  	v1 =	vld [tilespmem:s3+$0x1960];
	[tilespmem:s2+$0xB160] =	vst v6;
	v6 =	vmax.f32 v0, $0.0e+00  }
0x99: {  	v0 =	vld [tilespmem:s3+$0x1970];
	[tilespmem:s2+$0xB170] =	vst v6;
	s2 =	smov.u32 s3  }
0x9a: {  	v6 =	vld [tilespmem:s2+$0xB100]  }
0x9b: {  	v11 =	vld [tilespmem:s2+$0xB110]  }
.Ltmp2:
0x9c: {  	v10 =	vld [tilespmem:s2+$0xB120];
	(pc) =	sbr.rel @p1 .LBB2_7-.Ltmp2, $4  }
0x9d: {  	v9 =	vld [tilespmem:s2+$0xB130]  }
0x9e: {  	v8 =	vld [tilespmem:s2+$0xB140]  }
0x9f: {  	v12 =	vadd.f32 v13, v6;
	v7 =	vld [tilespmem:s2+$0xB150]  }
0xa0: {  	s0 =	sadd.s32 $0x200, s0;
	v11 =	vadd.f32 v14, v11;
	v6 =	vld [tilespmem:s2+$0xB160]  }
0xa1: {  	v12 =	vmax.f32 v12, $0.0e+00;
	v5 =	vadd.f32 v5, v10;
	v10 =	vld [tilespmem:s2+$0xB170]  }
0xa2: {  	[tilespmem:s2+$0xB100] =	vst v12;
	v11 =	vmax.f32 v11, $0.0e+00;
	v4 =	vadd.f32 v4, v9  }
0xa3: {  	[tilespmem:s2+$0xB110] =	vst v11;
	v5 =	vmax.f32 v5, $0.0e+00;
	v3 =	vadd.f32 v3, v8  }
0xa4: {  	[tilespmem:s2+$0xB120] =	vst v5;
	v4 =	vmax.f32 v4, $0.0e+00;
	v2 =	vadd.f32 v2, v7  }
0xa5: {  	[tilespmem:s2+$0xB130] =	vst v4;
	v3 =	vmax.f32 v3, $0.0e+00;
	v1 =	vadd.f32 v1, v6  }
0xa6: {  	[tilespmem:s2+$0xB140] =	vst v3;
	v2 =	vmax.f32 v2, $0.0e+00;
	v0 =	vadd.f32 v0, v10  }
0xa7: {  	[tilespmem:s2+$0xB150] =	vst v2;
	v1 =	vmax.f32 v1, $0.0e+00  }
0xa8: {  	s30 =	sshll.u32 s30, $0x4;
	[tilespmem:s2+$0xB160] =	vst v1;
	v0 =	vmax.f32 v0, $0.0e+00  }
0xa9: {  	s0 =	sadd.s32 s4, s30;
	[tilespmem:s2+$0xB170] =	vst v0  }
0xaa: {  	[hbm4b:s0+s6] =	stream.linear.scatter [tilespmem:s17], [sflag:$0x6], $0x3400, $0x38;
	[tilespmem:$0x14500] =	vst v63  }
0xab: {  	_ =	swait.ge [sflag:s22], $0x3000  }
0xac: {  	[sflag:s22] =	ssyncset.done $0x0  }
0xad: {  	[sflag:s22] =	ssyncadd.s32 $0xFFFFD000  }
0xae: {  	_ =	swait.ge [sflag:s23], $0x3000  }
0xaf: {  	s3 =	simm.s32 @!p0 $0xE500;
	[sflag:s23] =	ssyncset.done $0x0  }
0xb0: {  	s2 =	simm.s32 @!p0 $0x60;
	s0 =	sadd.s32 @!p0 $0x1F8, s29;
	[sflag:s23] =	ssyncadd.s32 $0xFFFFD000  }
0xb1: {  	[tilespmem:s3], [sflag:$0x3] =	stream.indirect.gather @!p0 [hbm4b:s1+s2], $0x80, s0, s2, $0xb8;
	[tilespmem:$0x14500] =	vst v63  }
0xb2: {  	s2 =	simm.s32 $0x0  }
0xb3: {  	v6 =	vld [tilespmem:s2+$0x4D00]  }
0xb4: {  	v11 =	vld [tilespmem:s2+$0x4D10]  }
0xb5: {  	v5 =	vld [tilespmem:s2+$0x4D20]  }
0xb6: {  	v4 =	vld [tilespmem:s2+$0x4D30]  }
0xb7: {  	v3 =	vld [tilespmem:s2+$0x4D40]  }
0xb8: {  	v2 =	vld [tilespmem:s2+$0x4D50]  }
0xb9: {  	v1 =	vld [tilespmem:s2+$0x4D60]  }
0xba: {  	v0 =	vld [tilespmem:s2+$0x4D70]  }
0xbb: {  	v12 =	vld [tilespmem:s2+$0x11500]  }
0xbc: {  	v13 =	vld [tilespmem:s2+$0x11510]  }
0xbd: {  	v10 =	vld [tilespmem:s2+$0x11520]  }
0xbe: {  	v9 =	vld [tilespmem:s2+$0x11530]  }
0xbf: {  	v8 =	vld [tilespmem:s2+$0x11540]  }
0xc0: {  	v7 =	vld [tilespmem:s2+$0x11550];
	v12 =	vadd.f32 v6, v12  }
0xc1: {  	s0 =	simm.s32 $0x200;
	v11 =	vadd.f32 v11, v13;
	v6 =	vld [tilespmem:s2+$0x11560]  }
.LBB2_9:
0xc2: {  	s3 =	sshra.s32 s0, $0x2;
	p0 =	sne.s32 s0, $0xBE00;
	v12 =	vmax.f32 v12, $0.0e+00;
	v5 =	vadd.f32 v5, v10;
	v10 =	vld [tilespmem:s2+$0x11570]  }
0xc3: {  	v13 =	vld [tilespmem:s3+$0x4D00];
	[tilespmem:s2+$0x11500] =	vst v12;
	v11 =	vmax.f32 v11, $0.0e+00;
	v4 =	vadd.f32 v4, v9  }
0xc4: {  	v14 =	vld [tilespmem:s3+$0x4D10];
	[tilespmem:s2+$0x11510] =	vst v11;
	v9 =	vmax.f32 v5, $0.0e+00;
	v3 =	vadd.f32 v3, v8  }
0xc5: {  	v5 =	vld [tilespmem:s3+$0x4D20];
	[tilespmem:s2+$0x11520] =	vst v9;
	v8 =	vmax.f32 v4, $0.0e+00;
	v2 =	vadd.f32 v2, v7  }
0xc6: {  	v4 =	vld [tilespmem:s3+$0x4D30];
	[tilespmem:s2+$0x11530] =	vst v8;
	v7 =	vmax.f32 v3, $0.0e+00;
	v1 =	vadd.f32 v1, v6  }
0xc7: {  	v3 =	vld [tilespmem:s3+$0x4D40];
	[tilespmem:s2+$0x11540] =	vst v7;
	v6 =	vmax.f32 v2, $0.0e+00;
	v0 =	vadd.f32 v0, v10  }
0xc8: {  	v2 =	vld [tilespmem:s3+$0x4D50];
	[tilespmem:s2+$0x11550] =	vst v6;
	v6 =	vmax.f32 v1, $0.0e+00  }
0xc9: {  	v1 =	vld [tilespmem:s3+$0x4D60];
	[tilespmem:s2+$0x11560] =	vst v6;
	v6 =	vmax.f32 v0, $0.0e+00  }
0xca: {  	v0 =	vld [tilespmem:s3+$0x4D70];
	[tilespmem:s2+$0x11570] =	vst v6;
	s2 =	smov.u32 s3  }
0xcb: {  	v6 =	vld [tilespmem:s2+$0x11500]  }
0xcc: {  	v11 =	vld [tilespmem:s2+$0x11510]  }
.Ltmp3:
0xcd: {  	v10 =	vld [tilespmem:s2+$0x11520];
	(pc) =	sbr.rel @p0 .LBB2_9-.Ltmp3, $4  }
0xce: {  	v9 =	vld [tilespmem:s2+$0x11530]  }
0xcf: {  	v8 =	vld [tilespmem:s2+$0x11540]  }
0xd0: {  	v12 =	vadd.f32 v13, v6;
	v7 =	vld [tilespmem:s2+$0x11550]  }
0xd1: {  	s0 =	sadd.s32 $0x200, s0;
	v11 =	vadd.f32 v14, v11;
	v6 =	vld [tilespmem:s2+$0x11560]  }
0xd2: {  	v12 =	vmax.f32 v12, $0.0e+00;
	v5 =	vadd.f32 v5, v10;
	v63 =	vld [tilespmem:s2+$0x11570]  }
0xd3: {  	[tilespmem:s2+$0x11500] =	vst v12;
	v11 =	vmax.f32 v11, $0.0e+00;
	v4 =	vadd.f32 v4, v9  }
0xd4: {  	[tilespmem:s2+$0x11510] =	vst v11;
	v5 =	vmax.f32 v5, $0.0e+00;
	v3 =	vadd.f32 v3, v8  }
0xd5: {  	s28 =	sadd.s32 $0x1, s28;
	[tilespmem:s2+$0x11520] =	vst v5;
	v4 =	vmax.f32 v4, $0.0e+00;
	v2 =	vadd.f32 v2, v7  }
0xd6: {  	p0 =	sne.s32 s28, $0x10;
	[tilespmem:s2+$0x11530] =	vst v4;
	v3 =	vmax.f32 v3, $0.0e+00;
	v1 =	vadd.f32 v1, v6  }
.Ltmp4:
0xd7: {  	[tilespmem:s2+$0x11540] =	vst v3;
	v2 =	vmax.f32 v2, $0.0e+00;
	v0 =	vadd.f32 v0, v63;
	(pc) =	sbr.rel @p0 .LBB2_2-.Ltmp4, $4  }
0xd8: {  	[tilespmem:s2+$0x11550] =	vst v2;
	v1 =	vmax.f32 v1, $0.0e+00  }
0xd9: {  	[tilespmem:s2+$0x11560] =	vst v1;
	v0 =	vmax.f32 v0, $0.0e+00  }
0xda: {  	s0 =	sadd.s32 s30, s8;
	[tilespmem:s2+$0x11570] =	vst v0  }
0xdb: {  	[hbm4b:s0+s6] =	stream.linear.scatter [tilespmem:s19], [sflag:$0x8], $0x3000, $0x38;
	[tilespmem:$0x14500] =	vst v63  }
0xdc: {  	s26 =	sadd.s32 $0x1, s26  }
0xdd: {  	_ =	swait.ge [sflag:s24], $0x3400;
	p0 =	sne.s32 s26, s9  }
.Ltmp5:
0xde: {  	[sflag:s24] =	ssyncset.done $0x0;
	(pc) =	sbr.rel @p0 .LBB2_1-.Ltmp5, $4  }
0xdf: {  	[sflag:s24] =	ssyncadd.s32 $0xFFFFCC00  }
0xe0: {  	_ =	swait.ge [sflag:s25], $0x3000  }
0xe1: {  	[sflag:s25] =	ssyncset.done $0x0  }
0xe2: {  	[sflag:s25] =	ssyncadd.s32 $0xFFFFD000  }
0xe3: {  	_ =	sfence.sel $0x180000  }
0xe4: {  	[bflag:$0x0] =	sbarrier.arrive $0xFFFF  }
0xe5: {  	_ =	strace $0x90000047  }
0xe6: {  	s0 =	stileid.u32;
	[bflag:$0x2] =	sbarrier.arrive $0xFFFF  }
0xe7: {  	p0 =	sne.s32 s0, $0x0;
	s0 =	rddreg [dreg:$0x4]  }
0xe8: {  	s0 =	sadd.s32 @!p0 $0x100000, s0  }
0xe9: {  	[sflag:s0] =	ssyncadd.tile.s32 @!p0 $0x1;
	_ =	shalt  }
.Lfunc_end2:
_tile_overlayer_lowered:
.L_overlay_start_2:
0xea: {  	(tag) =	ssettag $0x2  }
0xeb: {  	s0 =	rddreg [dreg:$0x0];
	s2 =	stileid.u32  }
0xec: {  	s1 =	rddreg [dreg:$0x1];
	p0 =	sne.s32 s2, $0x0  }
0xed: {  	s3 =	rddreg [dreg:$0x2];
	[bflag:$0x3] =	sbarrier.arrive $0xFFFF;
	s2 =	simm.s32 @!p0 $0x1C09  }
0xee: {  	[timem:s3], [sflag:s2] =	dma.local @!p0 [hbm:s0], s1  }
0xef: {  	s0 =	simm.s32 @!p0 $0x9  }
0xf0: {  	_ =	swait.ge @!p0 [sflag:s0], s1  }
0xf1: {  	s1 =	ssub.s32 @!p0 $0x0, s1;
	[sflag:s0] =	ssyncset.done @!p0 $0x0  }
0xf2: {  	[sflag:s0] =	ssyncadd.s32 @!p0 s1  }
0xf3: {  	[bflag:$0x3] =	sbarrier.arrive $0xFFFF  }
0xf4: {  	_ =	shalt  }

</sc_bundles>
